<compile_context>
chip_gen: v7x
topology: tpu7x:2x2x1
jax: 0.10.2.dev20260603
libtpu: 0.0.44.dev20260713+nightly
codegen_flags: <defaults>
</compile_context>

<pallas_src>
import functools
import math

import jax
import jax.numpy as jnp
from jax import lax
from jax.experimental import pallas as pl
from jax.experimental.pallas import tpu as pltpu
from jax.experimental.pallas import tpu_sc as plsc

N = 10000
E = 320000
C_S = 128
C_Z = 16
C_H = 16
H = 12
P_QK = 4
P_V = 8
EPS = 1e-8

TN = 128
CHUNK = 512
NT = 80
NPAD = NT * TN
EPAD = E + CHUNK
GCOLS = 256
ZCOLS = 128

C_QK = math.sqrt(1.0 / (3 * C_H))
C_B = math.sqrt(1.0 / 3)
C_PT = math.sqrt(1.0 / (3 * (P_QK * 9.0 / 2)))
NEG = -1e30


def _sc_gather(tbl, zt, sidx, zidx):
    info = plsc.get_sparse_core_info()
    nc, ns = info.num_cores, info.num_subcores
    nw = nc * ns
    e_per_w = EPAD // nw
    assert EPAD % nw == 0 and e_per_w % 8 == 0
    g = math.gcd(e_per_w, 32)
    iters = e_per_w // g
    mesh = plsc.VectorSubcoreMesh(core_axis_name="c", subcore_axis_name="s")

    @functools.partial(
        pl.kernel,
        mesh=mesh,
        out_type=[
            jax.ShapeDtypeStruct((EPAD, GCOLS), jnp.float32),
            jax.ShapeDtypeStruct((EPAD, ZCOLS), jnp.float32),
        ],
        scratch_types=[
            pltpu.VMEM((g,), jnp.int32),
            pltpu.VMEM((g, GCOLS), jnp.float32),
            pltpu.VMEM((g,), jnp.int32),
            pltpu.VMEM((g, ZCOLS), jnp.float32),
            pltpu.SemaphoreType.DMA,
            pltpu.SemaphoreType.DMA,
        ],
    )
    def k(tbl_hbm, zt_hbm, sidx_hbm, zidx_hbm, outk_hbm, outz_hbm,
          idx_v, rows_v, zidx_v, zrows_v, sem1, sem2):
        wid = lax.axis_index("s") * nc + lax.axis_index("c")
        base = wid * e_per_w

        def body(i, _):
            off = base + i * g
            pltpu.sync_copy(sidx_hbm.at[pl.ds(off, g)], idx_v)
            pltpu.sync_copy(zidx_hbm.at[pl.ds(off, g)], zidx_v)
            pltpu.async_copy(tbl_hbm.at[idx_v], rows_v, sem1).wait()
            pltpu.async_copy(zt_hbm.at[zidx_v], zrows_v, sem2).wait()
            pltpu.sync_copy(rows_v, outk_hbm.at[pl.ds(off, g)])
            pltpu.sync_copy(zrows_v, outz_hbm.at[pl.ds(off, g)])
            return 0

        lax.fori_loop(0, iters, body, 0)

    return k(tbl, zt, sidx, zidx)


def _dg(a, b, ca, cb, prec=None):
    return lax.dot_general(a, b, (((ca,), (cb,)), ((), ())),
                           preferred_element_type=jnp.float32,
                           precision=prec)


def _tc_body(ptr_ref, s_ref, rt_ref, rtt_ref, wq_ref, bq_ref, wqp_ref, bqp_ref,
             wk_ref, bk_ref, wv_ref, bv_ref, wkvp_ref, bkvp_ref,
             wb_ref, bb_ref, wdz_ref, bdz_ref, hw_ref, wout_ref, bout_ref,
             gk_any, gz_any, gd_any, out_ref,
             ek, ez, ed, m16, d16, acc_o, acc_pt, acc_pr,
             sem1, sem2, sem3):
    hi = lax.Precision.HIGHEST
    i = pl.program_id(0)
    n0 = i * TN
    start = ptr_ref[i]
    end = ptr_ref[i + 1]

    s_t = s_ref[...]
    q_t = _dg(s_t, wq_ref[...], 1, 1) + bq_ref[...]
    qp_raw = _dg(s_t, wqp_ref[...], 1, 1) + bqp_ref[...]
    qpr = []
    for i3 in range(3):
        acc = rt_ref[:, 9 + i3:10 + i3]
        for j3 in range(3):
            acc = acc + rt_ref[:, 3 * i3 + j3:3 * i3 + j3 + 1] * \
                qp_raw[:, j3 * 48:(j3 + 1) * 48]
        qpr.append(acc)
    qall = jnp.concatenate([q_t] + qpr, axis=1)

    hwv = jnp.log1p(jnp.exp(hw_ref[...]))

    m16[...] = jnp.full((16, TN), NEG, jnp.float32)
    d16[...] = jnp.zeros((16, TN), jnp.float32)
    acc_o[...] = jnp.zeros((H * C_H, TN), jnp.float32)
    acc_pt[...] = jnp.zeros((3 * H * P_V, TN), jnp.float32)
    acc_pr[...] = jnp.zeros((H * 4, TN), jnp.float32)

    c0 = (start // 8) * 8
    nch = (end - c0 + CHUNK - 1) // CHUNK

    def chunk_body(ci, _):
        c = c0 + ci * CHUNK
        cp1 = pltpu.make_async_copy(gk_any.at[pl.ds(c, CHUNK)], ek, sem1)
        cp2 = pltpu.make_async_copy(gz_any.at[pl.ds(c, CHUNK)], ez, sem2)
        cp3 = pltpu.make_async_copy(gd_any.at[pl.ds(c, CHUNK)], ed, sem3)
        cp1.start()
        cp2.start()
        cp3.start()
        cp1.wait()
        cp2.wait()
        cp3.wait()

        dstv = ed[...]
        gi = c + lax.broadcasted_iota(jnp.int32, (CHUNK, 1), 0)
        valid = (gi >= start) & (gi < end)
        oh = ((dstv - n0) == lax.broadcasted_iota(jnp.int32, (CHUNK, TN), 1)) \
            & valid
        ohf = oh.astype(jnp.float32)

        ssrc = ek[:, :C_S]
        k_e = _dg(ssrc, wk_ref[...], 1, 1) + bk_ref[...]
        v_e = _dg(ssrc, wv_ref[...], 1, 1) + bv_ref[...]
        kvp = _dg(ssrc, wkvp_ref[...], 1, 1) + bkvp_ref[...]
        kp_blocks = []
        vp_blocks = []
        for i3 in range(3):
            acc = ek[:, 137 + i3:138 + i3]
            for j3 in range(3):
                acc = acc + ek[:, 128 + 3 * i3 + j3:129 + 3 * i3 + j3] * \
                    kvp[:, j3 * 144:(j3 + 1) * 144]
            kp_blocks.append(acc[:, :48])
            vp_blocks.append(acc[:, 48:144])
        kp_e = jnp.concatenate(kp_blocks, axis=1)
        vp_e = jnp.concatenate(vp_blocks, axis=1)

        qe = _dg(ohf, qall, 1, 0, hi)
        qk = (qe[:, :H * C_H] * k_e).reshape(CHUNK, H, C_H).sum(-1)
        disp = qe[:, H * C_H:] - kp_e
        d2 = disp * disp
        s48 = d2[:, 0:48] + d2[:, 48:96] + d2[:, 96:144]
        ptt = s48.reshape(CHUNK, H, P_QK).sum(-1)
        b_e = _dg(ez[:, :C_Z], wb_ref[...], 1, 1) + bb_ref[...]
        a = qk * C_QK + b_e * C_B - (0.5 * C_PT) * hwv * ptt
        a = jnp.where(valid, a, NEG)

        mold = m16[...]
        cms = [jnp.max(jnp.where(oh, a[:, h:h + 1], NEG), axis=0,
                       keepdims=True) for h in range(H)]
        cm = jnp.concatenate(cms + [jnp.full((16 - H, TN), NEG, jnp.float32)],
                             axis=0)
        mnew = jnp.maximum(mold, cm)
        scale = jnp.exp(mold - mnew)
        m16[...] = mnew
        d16[...] = d16[...] * scale
        sc12 = scale[:H]
        s192 = jnp.broadcast_to(sc12[:, None, :], (H, C_H, TN)).reshape(
            H * C_H, TN)
        s96 = jnp.broadcast_to(sc12[:, None, :], (H, P_V, TN)).reshape(
            H * P_V, TN)
        acc_o[...] = acc_o[...] * s192
        acc_pt[...] = acc_pt[...] * jnp.concatenate([s96, s96, s96], axis=0)
        s48b = jnp.broadcast_to(sc12[:, None, :], (H, 4, TN)).reshape(
            H * 4, TN)
        acc_pr[...] = acc_pr[...] * s48b

        me = _dg(ohf, mnew, 1, 1, hi)
        p = jnp.exp(a - me[:, :H])

        pv = (v_e.reshape(CHUNK, H, C_H) * p[:, :, None]).reshape(
            CHUNK, H * C_H)
        p96 = jnp.broadcast_to(p[:, :, None], (CHUNK, H, P_V)).reshape(
            CHUNK, H * P_V)
        pvp = vp_e * jnp.concatenate([p96, p96, p96], axis=1)
        pz = _dg(ez[:, :C_Z], wdz_ref[...], 1, 1) + bdz_ref[...]
        ppz = (p[:, :, None] * pz[:, None, :]).reshape(CHUNK, H * 4)
        contrib = jnp.concatenate(
            [p, jnp.zeros((CHUNK, 4), jnp.float32), pv, pvp, ppz], axis=1)
        part = _dg(contrib, ohf, 0, 0, hi)
        d16[...] = d16[...] + part[0:16]
        acc_o[...] = acc_o[...] + part[16:208]
        acc_pt[...] = acc_pt[...] + part[208:496]
        acc_pr[...] = acc_pr[...] + part[496:544]
        return 0

    lax.fori_loop(0, nch, chunk_body, 0)

    inv = 1.0 / (d16[:H] + EPS)
    i192 = jnp.broadcast_to(inv[:, None, :], (H, C_H, TN)).reshape(
        H * C_H, TN)
    i96 = jnp.broadcast_to(inv[:, None, :], (H, P_V, TN)).reshape(H * P_V, TN)
    i48 = jnp.broadcast_to(inv[:, None, :], (H, 4, TN)).reshape(H * 4, TN)
    o_n = acc_o[...] * i192
    optn = acc_pt[...] * jnp.concatenate([i96, i96, i96], axis=0)
    opair = acc_pr[...] * i48

    tmp = [optn[d * 96:(d + 1) * 96, :] - rtt_ref[9 + d:10 + d, :]
           for d in range(3)]
    locs = []
    for i3 in range(3):
        acc = jnp.zeros((H * P_V, TN), jnp.float32)
        for j3 in range(3):
            acc = acc + rtt_ref[j3 * 3 + i3:j3 * 3 + i3 + 1, :] * tmp[j3]
        locs.append(acc)
    nrm = jnp.sqrt(locs[0] * locs[0] + locs[1] * locs[1] +
                   locs[2] * locs[2] + EPS)
    feats = jnp.concatenate([o_n, locs[0], locs[1], locs[2], nrm, opair],
                            axis=0)
    out_ref[...] = _dg(wout_ref[...], feats, 1, 0) + bout_ref[...]


def kernel(s, z, edge_index, rot, trans, mask, w_q, b_q, w_kv, b_kv,
           w_qp, b_qp, w_kvp, b_kvp, w_b, b_b, w_dz, b_dz, head_weights,
           w_out, b_out):
    del mask
    src = edge_index[0]
    dst = edge_index[1]
    perm = jnp.argsort(dst)
    dst_s = dst[perm]
    src_s = src[perm]
    tile_ptr = jnp.searchsorted(
        dst_s, (jnp.arange(NT + 1) * TN).astype(jnp.int32)).astype(jnp.int32)

    pad = EPAD - E
    src_p = jnp.concatenate([src_s, jnp.zeros((pad,), jnp.int32)])
    zidx_p = jnp.concatenate([perm.astype(jnp.int32),
                              jnp.zeros((pad,), jnp.int32)])
    dst_p = jnp.concatenate([dst_s, jnp.full((pad,), NPAD, jnp.int32)])
    dst_p = dst_p.reshape(EPAD, 1)

    tbl = jnp.concatenate(
        [s, rot.reshape(N, 9), trans, jnp.zeros((N, GCOLS - 140), jnp.float32)],
        axis=1)

    z_pad = jnp.concatenate(
        [z, jnp.zeros((E, ZCOLS - C_Z), jnp.float32)], axis=1)
    gk, gz = _sc_gather(tbl, z_pad, src_p, zidx_p)

    npd = NPAD - N
    s_p = jnp.concatenate([s, jnp.zeros((npd, C_S), jnp.float32)])
    rt = jnp.concatenate(
        [rot.reshape(N, 9), trans, jnp.zeros((N, 4), jnp.float32)], axis=1)
    rt = jnp.concatenate([rt, jnp.zeros((npd, 16), jnp.float32)])
    rtt = rt[:, :12].T

    hc = jnp.arange(H)[:, None] * 32
    idx_k = (hc + jnp.arange(C_H)).reshape(-1)
    idx_v = (hc + C_H + jnp.arange(C_H)).reshape(-1)
    w_k2, b_k2 = w_kv[idx_k], b_kv[idx_k]
    w_v2, b_v2 = w_kv[idx_v], b_kv[idx_v]
    rows = []
    for d in range(3):
        for h in range(H):
            for t in range(P_QK):
                rows.append(d * 144 + h * 12 + t)
        for h in range(H):
            for t in range(P_QK, 12):
                rows.append(d * 144 + h * 12 + t)
    rows = jnp.array(rows, jnp.int32)
    w_kvp2, b_kvp2 = w_kvp[rows], b_kvp[rows]

    def fb(x):
        return x.reshape(1, -1)

    grid_spec = pltpu.PrefetchScalarGridSpec(
        num_scalar_prefetch=1,
        grid=(NT,),
        in_specs=[
            pl.BlockSpec((TN, C_S), lambda i, p: (i, 0)),
            pl.BlockSpec((TN, 16), lambda i, p: (i, 0)),
            pl.BlockSpec((12, TN), lambda i, p: (0, i)),
            pl.BlockSpec((H * C_H, C_S), lambda i, p: (0, 0)),
            pl.BlockSpec((1, H * C_H), lambda i, p: (0, 0)),
            pl.BlockSpec((144, C_S), lambda i, p: (0, 0)),
            pl.BlockSpec((1, 144), lambda i, p: (0, 0)),
            pl.BlockSpec((H * C_H, C_S), lambda i, p: (0, 0)),
            pl.BlockSpec((1, H * C_H), lambda i, p: (0, 0)),
            pl.BlockSpec((H * C_H, C_S), lambda i, p: (0, 0)),
            pl.BlockSpec((1, H * C_H), lambda i, p: (0, 0)),
            pl.BlockSpec((432, C_S), lambda i, p: (0, 0)),
            pl.BlockSpec((1, 432), lambda i, p: (0, 0)),
            pl.BlockSpec((H, C_Z), lambda i, p: (0, 0)),
            pl.BlockSpec((1, H), lambda i, p: (0, 0)),
            pl.BlockSpec((4, C_Z), lambda i, p: (0, 0)),
            pl.BlockSpec((1, 4), lambda i, p: (0, 0)),
            pl.BlockSpec((1, H), lambda i, p: (0, 0)),
            pl.BlockSpec((C_S, 624), lambda i, p: (0, 0)),
            pl.BlockSpec((C_S, 1), lambda i, p: (0, 0)),
            pl.BlockSpec(memory_space=pl.ANY),
            pl.BlockSpec(memory_space=pl.ANY),
            pl.BlockSpec(memory_space=pl.ANY),
        ],
        out_specs=pl.BlockSpec((C_S, TN), lambda i, p: (0, i)),
        scratch_shapes=[
            pltpu.VMEM((CHUNK, GCOLS), jnp.float32),
            pltpu.VMEM((CHUNK, ZCOLS), jnp.float32),
            pltpu.VMEM((CHUNK, 1), jnp.int32),
            pltpu.VMEM((16, TN), jnp.float32),
            pltpu.VMEM((16, TN), jnp.float32),
            pltpu.VMEM((H * C_H, TN), jnp.float32),
            pltpu.VMEM((3 * H * P_V, TN), jnp.float32),
            pltpu.VMEM((H * 4, TN), jnp.float32),
            pltpu.SemaphoreType.DMA,
            pltpu.SemaphoreType.DMA,
            pltpu.SemaphoreType.DMA,
        ],
    )

    out_t = pl.pallas_call(
        _tc_body,
        grid_spec=grid_spec,
        out_shape=jax.ShapeDtypeStruct((C_S, NPAD), jnp.float32),
    )(tile_ptr, s_p, rt, rtt, w_q, fb(b_q), w_qp, fb(b_qp),
      w_k2, fb(b_k2), w_v2, fb(b_v2), w_kvp2, fb(b_kvp2),
      w_b, fb(b_b), w_dz, fb(b_dz), fb(head_weights),
      w_out, b_out.reshape(C_S, 1), gk, gz, dst_p)

    return out_t.T[:N]

# --- scband reference (transcript-rebuilt; emitter-appended) ---
"""Pipeline reference for scband-graph-invariant-point-attention-87935160418345 (READ-ONLY COPY).

The authoritative reference and input builder live on the scoring server;
editing this copy changes nothing except your own understanding.
"""

import jax, jax.numpy as jnp
import numpy as np
import math

N = 10000
E = 320000
C_S = 128
C_Z = 16
C_H = 16
H = 12
P_QK = 4
P_V = 8
INF = 100000.0
EPS = 1e-8


def _quat_to_rot(q):
    q = q / jnp.linalg.norm(q, axis=-1, keepdims=True)
    w, x, y, z = q[..., 0], q[..., 1], q[..., 2], q[..., 3]
    return jnp.stack([
        jnp.stack([1 - 2 * (y * y + z * z), 2 * (x * y - w * z), 2 * (x * z + w * y)], axis=-1),
        jnp.stack([2 * (x * y + w * z), 1 - 2 * (x * x + z * z), 2 * (y * z - w * x)], axis=-1),
        jnp.stack([2 * (x * z - w * y), 2 * (y * z + w * x), 1 - 2 * (x * x + y * y)], axis=-1),
    ], axis=-2)


def _linear_params(key, out_dim, in_dim):
    kw, kb = jax.random.split(key)
    w = jax.random.normal(kw, (out_dim, in_dim), jnp.float32) / math.sqrt(in_dim)
    b = jax.random.normal(kb, (out_dim,), jnp.float32) * 0.01
    return w, b


def setup_inputs(seed: int = 0):
    key = jax.random.key(seed)
    ks = jax.random.split(key, 16)
    inp = {}
    inp["s"] = jax.random.normal(ks[0], (N, C_S), jnp.float32)
    inp["z"] = jax.random.normal(ks[1], (E, C_Z), jnp.float32)
    inp["edge_index"] = jax.random.randint(ks[2], (2, E), 0, N, dtype=jnp.int32)
    inp["rot"] = _quat_to_rot(jax.random.normal(ks[3], (N, 4), jnp.float32))
    inp["trans"] = jax.random.normal(ks[4], (N, 3), jnp.float32) * 10.0
    inp["mask"] = jnp.ones((N,), jnp.float32)
    hc = C_H * H
    inp["w_q"], inp["b_q"] = _linear_params(ks[5], hc, C_S)
    inp["w_kv"], inp["b_kv"] = _linear_params(ks[6], 2 * hc, C_S)
    inp["w_qp"], inp["b_qp"] = _linear_params(ks[7], H * P_QK * 3, C_S)
    inp["w_kvp"], inp["b_kvp"] = _linear_params(ks[8], H * (P_QK + P_V) * 3, C_S)
    inp["w_b"], inp["b_b"] = _linear_params(ks[9], H, C_Z)
    inp["w_dz"], inp["b_dz"] = _linear_params(ks[10], C_Z // 4, C_Z)
    inp["head_weights"] = jnp.full((H,), 0.541324854612918, jnp.float32)
    concat_dim = H * (C_Z // 4 + C_H + P_V * 4)
    inp["w_out"], inp["b_out"] = _linear_params(ks[11], C_S, concat_dim)
    return inp


def _forward(s, z, rot, trans, mask, w_q, b_q, w_kv, b_kv, w_qp, b_qp, w_kvp, b_kvp, w_b, b_b, w_dz, b_dz, head_weights, w_out, b_out, edge_index):
    src = edge_index[0]
    dst = edge_index[1]
    q = (s @ w_q.T + b_q).reshape(N, H, C_H)
    kv = (s @ w_kv.T + b_kv).reshape(N, H, 2 * C_H)
    k, v = kv[..., :C_H], kv[..., C_H:]
    qp = s @ w_qp.T + b_qp
    qp = jnp.stack(jnp.split(qp, 3, axis=-1), axis=-1)
    qp = jnp.einsum("nij,npj->npi", rot, qp) + trans[:, None, :]
    q_pts = qp.reshape(N, H, P_QK, 3)
    kvp = s @ w_kvp.T + b_kvp
    kvp = jnp.stack(jnp.split(kvp, 3, axis=-1), axis=-1)
    kvp = jnp.einsum("nij,npj->npi", rot, kvp) + trans[:, None, :]
    kvp = kvp.reshape(N, H, P_QK + P_V, 3)
    k_pts, v_pts = kvp[:, :, :P_QK], kvp[:, :, P_QK:]
    b_edge = z @ w_b.T + b_b
    q_src = q[dst]
    k_dst = k[src]
    a = jnp.sum(q_src * k_dst, axis=-1) * math.sqrt(1.0 / (3 * C_H))
    a = a + math.sqrt(1.0 / 3) * b_edge
    pt_disp = q_pts[dst] - k_pts[src]
    pt_att = jnp.sum(pt_disp ** 2, axis=-1)
    hw = jax.nn.softplus(head_weights) * math.sqrt(1.0 / (3 * (P_QK * 9.0 / 2)))
    pt_att = jnp.sum(pt_att * hw[None, :, None], axis=-1) * (-0.5)
    a = a + pt_att
    sq_mask = mask[src] * mask[dst]
    a = a + (INF * (sq_mask - 1.0))[:, None]
    a_max = jax.ops.segment_max(a, dst, num_segments=N)
    a_max = jnp.where(jnp.isfinite(a_max), a_max, 0.0)
    a_exp = jnp.exp(a - a_max[dst])
    denom = jax.ops.segment_sum(a_exp, dst, num_segments=N)
    attn = a_exp / (denom[dst] + EPS)
    o = jax.ops.segment_sum(attn[..., None] * v[src], dst, num_segments=N)
    o_pt = jax.ops.segment_sum(attn[..., None, None] * v_pts[src], dst, num_segments=N)
    o_pt = jnp.einsum("nji,nhpj->nhpi", rot, o_pt - trans[:, None, None, :])
    o_pt_norm = jnp.sqrt(jnp.sum(o_pt ** 2, axis=-1) + EPS)
    pair_z = z @ w_dz.T + b_dz
    o_pair = jax.ops.segment_sum(attn[..., None] * pair_z[:, None, :], dst, num_segments=N)
    feats = jnp.concatenate([
        o.reshape(N, -1),
        o_pt[..., 0].reshape(N, -1),
        o_pt[..., 1].reshape(N, -1),
        o_pt[..., 2].reshape(N, -1),
        o_pt_norm.reshape(N, -1),
        o_pair.reshape(N, -1),
    ], axis=-1)
    return feats @ w_out.T + b_out


def reference(s, z, edge_index, rot, trans, mask, w_q, b_q, w_kv, b_kv, w_qp, b_qp, w_kvp, b_kvp, w_b, b_b, w_dz, b_dz, head_weights, w_out, b_out):
    return _forward(s, z, rot, trans, mask, w_q, b_q, w_kv, b_kv, w_qp, b_qp, w_kvp, b_kvp, w_b, b_b, w_dz, b_dz, head_weights, w_out, b_out, edge_index)

if __name__ == "__main__":
    import jax
    _d = setup_inputs()
    print(jax.jit(kernel)(*tuple(_d.values())))

</pallas_src>

<mosaic_0001>
#map = affine_map<(d0, d1) -> (0, 0)>
#map1 = affine_map<(d0, d1) -> (0)>
module attributes {stable_mosaic.version = 14 : i64} {
  func.func @k(%arg0: i32, %arg1: i32, %arg2: memref<10000x256xf32, #tpu.memory_space<hbm>>, %arg3: memref<320000x128xf32, #tpu.memory_space<hbm>>, %arg4: memref<320512xi32, #tpu.memory_space<hbm>>, %arg5: memref<320512xi32, #tpu.memory_space<hbm>>, %arg6: memref<320512x256xf32, #tpu.memory_space<hbm>>, %arg7: memref<320512x128xf32, #tpu.memory_space<hbm>>, %arg8: memref<32xi32, #tpu.memory_space<vmem>>, %arg9: memref<32x256xf32, #tpu.memory_space<vmem>>, %arg10: memref<32xi32, #tpu.memory_space<vmem>>, %arg11: memref<32x128xf32, #tpu.memory_space<vmem>>, %arg12: memref<!tpu.dma_semaphore, #tpu.memory_space<semaphore_mem>>, %arg13: memref<!tpu.dma_semaphore, #tpu.memory_space<semaphore_mem>>) attributes {dimension_semantics = [#tpu.dimension_semantics<core_parallel>, #tpu.dimension_semantics<subcore_parallel>], iteration_bounds = array<i64: 2, 16>, scalar_prefetch = 0 : i64, scratch_operands = 6 : i64, tpu.core_type = #tpu.core_type<sc_vector_subcore>, window_params = [{transform_indices = #map}, {transform_indices = #map}, {transform_indices = #map1}, {transform_indices = #map1}, {transform_indices = #map}, {transform_indices = #map}]} {
    %mul3A = arith.constant 2 : i32
    %mul3A_0 = arith.muli %arg1, %mul3A : i32
    %add3A = arith.addi %mul3A_0, %arg0 : i32
    %mul3A_1 = arith.constant 10016 : i32
    %mul3A_2 = arith.muli %add3A, %mul3A_1 : i32
    %scan3A = arith.constant 0 : i32
    %scan3A_3 = arith.constant 0 : i32
    %scan3A_4 = arith.constant 313 : i32
    %scan3A_5 = arith.addi %scan3A_3, %scan3A_4 : i32
    %scan3A_6 = arith.constant 1 : i32
    %scan3A_7 = scf.for %scan3A_9 = %scan3A_3 to %scan3A_5 step %scan3A_6 iter_args(%scan3A_10 = %scan3A) -> (i32)  : i32 {
      %mul3A_11 = arith.constant 32 : i32
      %mul3A_12 = arith.muli %scan3A_9, %mul3A_11 : i32
      %add3A_13 = arith.addi %mul3A_2, %mul3A_12 : i32
      "tpu.region"() ({
        %run_scoped3A = tpu.sem_alloc : memref<!tpu.dma_semaphore, #tpu.memory_space<semaphore_mem>>
        %dma_start3A_25 = tpu.memref_slice %arg4[%add3A_13] : memref<320512xi32, #tpu.memory_space<hbm>> -> memref<32xi32, #tpu.memory_space<hbm>>
        %dma_start3A_26 = tpu.memref_slice %arg4[%add3A_13] : memref<320512xi32, #tpu.memory_space<hbm>> -> memref<32xi32, #tpu.memory_space<hbm>>
        tpu.enqueue_dma source(%dma_start3A_26 : memref<32xi32, #tpu.memory_space<hbm>>) target(%arg8 : memref<32xi32, #tpu.memory_space<vmem>>) target_semaphore(%run_scoped3A : memref<!tpu.dma_semaphore, #tpu.memory_space<semaphore_mem>>)
        %dma_wait3A_27 = tpu.memref_slice %arg4[%add3A_13] : memref<320512xi32, #tpu.memory_space<hbm>> -> memref<32xi32, #tpu.memory_space<hbm>>
        %dma_wait3A_28 = tpu.memref_slice %arg4[%add3A_13] : memref<320512xi32, #tpu.memory_space<hbm>> -> memref<32xi32, #tpu.memory_space<hbm>>
        tpu.wait_dma2 semaphore(%run_scoped3A : memref<!tpu.dma_semaphore, #tpu.memory_space<semaphore_mem>>) src(%dma_wait3A_28 : memref<32xi32, #tpu.memory_space<hbm>>) dst(%arg8 : memref<32xi32, #tpu.memory_space<vmem>>)
        tpu.yield
      }) : () -> ()
      "tpu.region"() ({
        %run_scoped3A = tpu.sem_alloc : memref<!tpu.dma_semaphore, #tpu.memory_space<semaphore_mem>>
        %dma_start3A_25 = tpu.memref_slice %arg5[%add3A_13] : memref<320512xi32, #tpu.memory_space<hbm>> -> memref<32xi32, #tpu.memory_space<hbm>>
        %dma_start3A_26 = tpu.memref_slice %arg5[%add3A_13] : memref<320512xi32, #tpu.memory_space<hbm>> -> memref<32xi32, #tpu.memory_space<hbm>>
        tpu.enqueue_dma source(%dma_start3A_26 : memref<32xi32, #tpu.memory_space<hbm>>) target(%arg10 : memref<32xi32, #tpu.memory_space<vmem>>) target_semaphore(%run_scoped3A : memref<!tpu.dma_semaphore, #tpu.memory_space<semaphore_mem>>)
        %dma_wait3A_27 = tpu.memref_slice %arg5[%add3A_13] : memref<320512xi32, #tpu.memory_space<hbm>> -> memref<32xi32, #tpu.memory_space<hbm>>
        %dma_wait3A_28 = tpu.memref_slice %arg5[%add3A_13] : memref<320512xi32, #tpu.memory_space<hbm>> -> memref<32xi32, #tpu.memory_space<hbm>>
        tpu.wait_dma2 semaphore(%run_scoped3A : memref<!tpu.dma_semaphore, #tpu.memory_space<semaphore_mem>>) src(%dma_wait3A_28 : memref<32xi32, #tpu.memory_space<hbm>>) dst(%arg10 : memref<32xi32, #tpu.memory_space<vmem>>)
        tpu.yield
      }) : () -> ()
      %dma_start3A = arith.constant 0 : i32
      %dma_start3A_14 = arith.constant 0 : i32
      %dma_start3A_15 = tpu.memref_slice %arg2[%dma_start3A, %dma_start3A_14] : memref<10000x256xf32, #tpu.memory_space<hbm>> -> memref<10000x256xf32, #tpu.memory_space<hbm>>
      tpu.enqueue_indirect_dma source(%dma_start3A_15 : memref<10000x256xf32, #tpu.memory_space<hbm>>) target(%arg9 : memref<32x256xf32, #tpu.memory_space<vmem>>) offsets(%arg8 : memref<32xi32, #tpu.memory_space<vmem>>) semaphore(%arg12 : memref<!tpu.dma_semaphore, #tpu.memory_space<semaphore_mem>>)
      %dma_wait3A = arith.constant 0 : i32
      %dma_wait3A_16 = arith.constant 0 : i32
      %dma_wait3A_17 = tpu.memref_slice %arg2[%dma_wait3A, %dma_wait3A_16] : memref<10000x256xf32, #tpu.memory_space<hbm>> -> memref<10000x256xf32, #tpu.memory_space<hbm>>
      tpu.wait_indirect_dma semaphore(%arg12 : memref<!tpu.dma_semaphore, #tpu.memory_space<semaphore_mem>>) src(%dma_wait3A_17 : memref<10000x256xf32, #tpu.memory_space<hbm>>) dst(%arg9 : memref<32x256xf32, #tpu.memory_space<vmem>>)
      %dma_start3A_18 = arith.constant 0 : i32
      %dma_start3A_19 = arith.constant 0 : i32
      %dma_start3A_20 = tpu.memref_slice %arg3[%dma_start3A_18, %dma_start3A_19] : memref<320000x128xf32, #tpu.memory_space<hbm>> -> memref<320000x128xf32, #tpu.memory_space<hbm>>
      tpu.enqueue_indirect_dma source(%dma_start3A_20 : memref<320000x128xf32, #tpu.memory_space<hbm>>) target(%arg11 : memref<32x128xf32, #tpu.memory_space<vmem>>) offsets(%arg10 : memref<32xi32, #tpu.memory_space<vmem>>) semaphore(%arg13 : memref<!tpu.dma_semaphore, #tpu.memory_space<semaphore_mem>>)
      %dma_wait3A_21 = arith.constant 0 : i32
      %dma_wait3A_22 = arith.constant 0 : i32
      %dma_wait3A_23 = tpu.memref_slice %arg3[%dma_wait3A_21, %dma_wait3A_22] : memref<320000x128xf32, #tpu.memory_space<hbm>> -> memref<320000x128xf32, #tpu.memory_space<hbm>>
      tpu.wait_indirect_dma semaphore(%arg13 : memref<!tpu.dma_semaphore, #tpu.memory_space<semaphore_mem>>) src(%dma_wait3A_23 : memref<320000x128xf32, #tpu.memory_space<hbm>>) dst(%arg11 : memref<32x128xf32, #tpu.memory_space<vmem>>)
      "tpu.region"() ({
        %run_scoped3A = tpu.sem_alloc : memref<!tpu.dma_semaphore, #tpu.memory_space<semaphore_mem>>
        %dma_start3A_25 = arith.constant 0 : i32
        %dma_start3A_26 = tpu.memref_slice %arg6[%add3A_13, %dma_start3A_25] : memref<320512x256xf32, #tpu.memory_space<hbm>> -> memref<32x256xf32, #tpu.memory_space<hbm>>
        %dma_start3A_27 = arith.constant 0 : i32
        %dma_start3A_28 = tpu.memref_slice %arg6[%add3A_13, %dma_start3A_27] : memref<320512x256xf32, #tpu.memory_space<hbm>> -> memref<32x256xf32, #tpu.memory_space<hbm>>
        tpu.enqueue_dma source(%arg9 : memref<32x256xf32, #tpu.memory_space<vmem>>) target(%dma_start3A_28 : memref<32x256xf32, #tpu.memory_space<hbm>>) target_semaphore(%run_scoped3A : memref<!tpu.dma_semaphore, #tpu.memory_space<semaphore_mem>>)
        %dma_wait3A_29 = arith.constant 0 : i32
        %dma_wait3A_30 = tpu.memref_slice %arg6[%add3A_13, %dma_wait3A_29] : memref<320512x256xf32, #tpu.memory_space<hbm>> -> memref<32x256xf32, #tpu.memory_space<hbm>>
        %dma_wait3A_31 = arith.constant 0 : i32
        %dma_wait3A_32 = tpu.memref_slice %arg6[%add3A_13, %dma_wait3A_31] : memref<320512x256xf32, #tpu.memory_space<hbm>> -> memref<32x256xf32, #tpu.memory_space<hbm>>
        tpu.wait_dma2 semaphore(%run_scoped3A : memref<!tpu.dma_semaphore, #tpu.memory_space<semaphore_mem>>) src(%arg9 : memref<32x256xf32, #tpu.memory_space<vmem>>) dst(%dma_wait3A_32 : memref<32x256xf32, #tpu.memory_space<hbm>>)
        tpu.yield
      }) : () -> ()
      "tpu.region"() ({
        %run_scoped3A = tpu.sem_alloc : memref<!tpu.dma_semaphore, #tpu.memory_space<semaphore_mem>>
        %dma_start3A_25 = arith.constant 0 : i32
        %dma_start3A_26 = tpu.memref_slice %arg7[%add3A_13, %dma_start3A_25] : memref<320512x128xf32, #tpu.memory_space<hbm>> -> memref<32x128xf32, #tpu.memory_space<hbm>>
        %dma_start3A_27 = arith.constant 0 : i32
        %dma_start3A_28 = tpu.memref_slice %arg7[%add3A_13, %dma_start3A_27] : memref<320512x128xf32, #tpu.memory_space<hbm>> -> memref<32x128xf32, #tpu.memory_space<hbm>>
        tpu.enqueue_dma source(%arg11 : memref<32x128xf32, #tpu.memory_space<vmem>>) target(%dma_start3A_28 : memref<32x128xf32, #tpu.memory_space<hbm>>) target_semaphore(%run_scoped3A : memref<!tpu.dma_semaphore, #tpu.memory_space<semaphore_mem>>)
        %dma_wait3A_29 = arith.constant 0 : i32
        %dma_wait3A_30 = tpu.memref_slice %arg7[%add3A_13, %dma_wait3A_29] : memref<320512x128xf32, #tpu.memory_space<hbm>> -> memref<32x128xf32, #tpu.memory_space<hbm>>
        %dma_wait3A_31 = arith.constant 0 : i32
        %dma_wait3A_32 = tpu.memref_slice %arg7[%add3A_13, %dma_wait3A_31] : memref<320512x128xf32, #tpu.memory_space<hbm>> -> memref<32x128xf32, #tpu.memory_space<hbm>>
        tpu.wait_dma2 semaphore(%run_scoped3A : memref<!tpu.dma_semaphore, #tpu.memory_space<semaphore_mem>>) src(%arg11 : memref<32x128xf32, #tpu.memory_space<vmem>>) dst(%dma_wait3A_32 : memref<32x128xf32, #tpu.memory_space<hbm>>)
        tpu.yield
      }) : () -> ()
      %scan3A_24 = arith.constant 0 : i32
      scf.yield %scan3A_24 : i32
    }
    %scan3A_8 = arith.constant 313 : i32
    return
  }
}

module attributes {stable_mosaic.version = 14 : i64} {
  func.func @_tc_body(%arg0: i32, %arg1: memref<81xi32, #tpu.memory_space<smem>>, %arg2: memref<128x128xf32, #tpu.memory_space<vmem>>, %arg3: memref<128x16xf32, #tpu.memory_space<vmem>>, %arg4: memref<12x128xf32, #tpu.memory_space<vmem>>, %arg5: memref<192x128xf32, #tpu.memory_space<vmem>>, %arg6: memref<1x192xf32, #tpu.memory_space<vmem>>, %arg7: memref<144x128xf32, #tpu.memory_space<vmem>>, %arg8: memref<1x144xf32, #tpu.memory_space<vmem>>, %arg9: memref<192x128xf32, #tpu.memory_space<vmem>>, %arg10: memref<1x192xf32, #tpu.memory_space<vmem>>, %arg11: memref<192x128xf32, #tpu.memory_space<vmem>>, %arg12: memref<1x192xf32, #tpu.memory_space<vmem>>, %arg13: memref<432x128xf32, #tpu.memory_space<vmem>>, %arg14: memref<1x432xf32, #tpu.memory_space<vmem>>, %arg15: memref<12x16xf32, #tpu.memory_space<vmem>>, %arg16: memref<1x12xf32, #tpu.memory_space<vmem>>, %arg17: memref<4x16xf32, #tpu.memory_space<vmem>>, %arg18: memref<1x4xf32, #tpu.memory_space<vmem>>, %arg19: memref<1x12xf32, #tpu.memory_space<vmem>>, %arg20: memref<128x624xf32, #tpu.memory_space<vmem>>, %arg21: memref<128x1xf32, #tpu.memory_space<vmem>>, %arg22: memref<320512x256xf32, #tpu.memory_space<any>>, %arg23: memref<320512x128xf32, #tpu.memory_space<any>>, %arg24: memref<320512x1xi32, #tpu.memory_space<any>>, %arg25: memref<128x128xf32, #tpu.memory_space<vmem>>, %arg26: memref<512x256xf32, #tpu.memory_space<vmem>>, %arg27: memref<512x128xf32, #tpu.memory_space<vmem>>, %arg28: memref<512x1xi32, #tpu.memory_space<vmem>>, %arg29: memref<16x128xf32, #tpu.memory_space<vmem>>, %arg30: memref<16x128xf32, #tpu.memory_space<vmem>>, %arg31: memref<192x128xf32, #tpu.memory_space<vmem>>, %arg32: memref<288x128xf32, #tpu.memory_space<vmem>>, %arg33: memref<48x128xf32, #tpu.memory_space<vmem>>, %arg34: memref<!tpu.dma_semaphore, #tpu.memory_space<semaphore_mem>>, %arg35: memref<!tpu.dma_semaphore, #tpu.memory_space<semaphore_mem>>, %arg36: memref<!tpu.dma_semaphore, #tpu.memory_space<semaphore_mem>>) attributes {dimension_semantics = [#tpu.dimension_semantics<arbitrary>], iteration_bounds = array<i64: 80>, scalar_prefetch = 1 : i64, scratch_operands = 11 : i64, tpu.core_type = #tpu.core_type<tc>, window_params = [{transform_indices = @transform_0, window_bounds = array<i64: 128, 128>}, {transform_indices = @transform_1, window_bounds = array<i64: 128, 16>}, {transform_indices = @transform_2, window_bounds = array<i64: 12, 128>}, {pipeline_mode = #tpu.pipeline_mode<synchronous>, transform_indices = @transform_3, window_bounds = array<i64: 192, 128>}, {pipeline_mode = #tpu.pipeline_mode<synchronous>, transform_indices = @transform_4, window_bounds = array<i64: 1, 192>}, {pipeline_mode = #tpu.pipeline_mode<synchronous>, transform_indices = @transform_5, window_bounds = array<i64: 144, 128>}, {pipeline_mode = #tpu.pipeline_mode<synchronous>, transform_indices = @transform_6, window_bounds = array<i64: 1, 144>}, {pipeline_mode = #tpu.pipeline_mode<synchronous>, transform_indices = @transform_7, window_bounds = array<i64: 192, 128>}, {pipeline_mode = #tpu.pipeline_mode<synchronous>, transform_indices = @transform_8, window_bounds = array<i64: 1, 192>}, {pipeline_mode = #tpu.pipeline_mode<synchronous>, transform_indices = @transform_9, window_bounds = array<i64: 192, 128>}, {pipeline_mode = #tpu.pipeline_mode<synchronous>, transform_indices = @transform_10, window_bounds = array<i64: 1, 192>}, {pipeline_mode = #tpu.pipeline_mode<synchronous>, transform_indices = @transform_11, window_bounds = array<i64: 432, 128>}, {pipeline_mode = #tpu.pipeline_mode<synchronous>, transform_indices = @transform_12, window_bounds = array<i64: 1, 432>}, {pipeline_mode = #tpu.pipeline_mode<synchronous>, transform_indices = @transform_13, window_bounds = array<i64: 12, 16>}, {pipeline_mode = #tpu.pipeline_mode<synchronous>, transform_indices = @transform_14, window_bounds = array<i64: 1, 12>}, {pipeline_mode = #tpu.pipeline_mode<synchronous>, transform_indices = @transform_15, window_bounds = array<i64: 4, 16>}, {pipeline_mode = #tpu.pipeline_mode<synchronous>, transform_indices = @transform_16, window_bounds = array<i64: 1, 4>}, {pipeline_mode = #tpu.pipeline_mode<synchronous>, transform_indices = @transform_17, window_bounds = array<i64: 1, 12>}, {pipeline_mode = #tpu.pipeline_mode<synchronous>, transform_indices = @transform_18, window_bounds = array<i64: 128, 624>}, {pipeline_mode = #tpu.pipeline_mode<synchronous>, transform_indices = @transform_19, window_bounds = array<i64: 128, 1>}, {}, {}, {}, {transform_indices = @transform_23, window_bounds = array<i64: 128, 128>}]} {
    %mul3A = arith.constant 128 : i32
    %mul3A_0 = arith.muli %arg0, %mul3A : i32
    %get3A = arith.index_cast %arg0 : i32 to index
    %get3A_1 = memref.load %arg1[%get3A] : memref<81xi32, #tpu.memory_space<smem>>
    %add3A = arith.constant 1 : i32
    %add3A_2 = arith.addi %arg0, %add3A : i32
    %get3A_3 = arith.index_cast %add3A_2 : i32 to index
    %get3A_4 = memref.load %arg1[%get3A_3] : memref<81xi32, #tpu.memory_space<smem>>
    %get3A_5 = arith.constant 0 : index
    %get3A_6 = arith.constant 0 : index
    %get3A_7 = vector.load %arg2[%get3A_5, %get3A_6] : memref<128x128xf32, #tpu.memory_space<vmem>>, vector<128x128xf32>
    %get3A_8 = arith.constant 0 : index
    %get3A_9 = arith.constant 0 : index
    %get3A_10 = vector.load %arg5[%get3A_8, %get3A_9] : memref<192x128xf32, #tpu.memory_space<vmem>>, vector<192x128xf32>
    %dot_general3A = arith.constant dense<0.000000e+00> : vector<128x192xf32>
    %dot_general3A_11 = tpu.matmul %get3A_7, %get3A_10, %dot_general3A {dimension_numbers = #tpu.dot_dimension_numbers<[1], [1], [0], [0], [0, 0, 1, 0], [], []>, transpose_lhs_hint = false} : vector<128x128xf32>, vector<192x128xf32>, vector<128x192xf32> -> vector<128x192xf32>
    %get3A_12 = arith.constant 0 : index
    %get3A_13 = arith.constant 0 : index
    %get3A_14 = vector.load %arg6[%get3A_12, %get3A_13] : memref<1x192xf32, #tpu.memory_space<vmem>>, vector<1x192xf32>
    %add3A_15 = vector.broadcast %get3A_14 : vector<1x192xf32> to vector<128x192xf32>
    %add3A_16 = arith.addf %dot_general3A_11, %add3A_15 : vector<128x192xf32>
    %get3A_17 = arith.constant 0 : index
    %get3A_18 = arith.constant 0 : index
    %get3A_19 = vector.load %arg7[%get3A_17, %get3A_18] : memref<144x128xf32, #tpu.memory_space<vmem>>, vector<144x128xf32>
    %dot_general3A_20 = arith.constant dense<0.000000e+00> : vector<128x144xf32>
    %dot_general3A_21 = tpu.matmul %get3A_7, %get3A_19, %dot_general3A_20 {dimension_numbers = #tpu.dot_dimension_numbers<[1], [1], [0], [0], [0, 0, 1, 0], [], []>, transpose_lhs_hint = false} : vector<128x128xf32>, vector<144x128xf32>, vector<128x144xf32> -> vector<128x144xf32>
    %get3A_22 = arith.constant 0 : index
    %get3A_23 = arith.constant 0 : index
    %get3A_24 = vector.load %arg8[%get3A_22, %get3A_23] : memref<1x144xf32, #tpu.memory_space<vmem>>, vector<1x144xf32>
    %add3A_25 = vector.broadcast %get3A_24 : vector<1x144xf32> to vector<128x144xf32>
    %add3A_26 = arith.addf %dot_general3A_21, %add3A_25 : vector<128x144xf32>
    %get3A_27 = arith.constant 0 : index
    %get3A_28 = arith.constant 9 : index
    %get3A_29 = vector.load %arg3[%get3A_27, %get3A_28] : memref<128x16xf32, #tpu.memory_space<vmem>>, vector<128x1xf32>
    %get3A_30 = arith.constant 0 : index
    %get3A_31 = arith.constant 0 : index
    %get3A_32 = vector.load %arg3[%get3A_30, %get3A_31] : memref<128x16xf32, #tpu.memory_space<vmem>>, vector<128x1xf32>
    %slice3A = vector.extract_strided_slice %add3A_26 {offsets = [0, 0], sizes = [128, 48], strides = [1, 1]} : vector<128x144xf32> to vector<128x48xf32>
    %mul3A_33 = vector.broadcast %get3A_32 : vector<128x1xf32> to vector<128x48xf32>
    %mul3A_34 = arith.mulf %mul3A_33, %slice3A : vector<128x48xf32>
    %add3A_35 = vector.broadcast %get3A_29 : vector<128x1xf32> to vector<128x48xf32>
    %add3A_36 = arith.addf %add3A_35, %mul3A_34 : vector<128x48xf32>
    %get3A_37 = arith.constant 0 : index
    %get3A_38 = arith.constant 1 : index
    %get3A_39 = vector.load %arg3[%get3A_37, %get3A_38] : memref<128x16xf32, #tpu.memory_space<vmem>>, vector<128x1xf32>
    %slice3A_40 = vector.extract_strided_slice %add3A_26 {offsets = [0, 48], sizes = [128, 48], strides = [1, 1]} : vector<128x144xf32> to vector<128x48xf32>
    %mul3A_41 = vector.broadcast %get3A_39 : vector<128x1xf32> to vector<128x48xf32>
    %mul3A_42 = arith.mulf %mul3A_41, %slice3A_40 : vector<128x48xf32>
    %add3A_43 = arith.addf %add3A_36, %mul3A_42 : vector<128x48xf32>
    %get3A_44 = arith.constant 0 : index
    %get3A_45 = arith.constant 2 : index
    %get3A_46 = vector.load %arg3[%get3A_44, %get3A_45] : memref<128x16xf32, #tpu.memory_space<vmem>>, vector<128x1xf32>
    %slice3A_47 = vector.extract_strided_slice %add3A_26 {offsets = [0, 96], sizes = [128, 48], strides = [1, 1]} : vector<128x144xf32> to vector<128x48xf32>
    %mul3A_48 = vector.broadcast %get3A_46 : vector<128x1xf32> to vector<128x48xf32>
    %mul3A_49 = arith.mulf %mul3A_48, %slice3A_47 : vector<128x48xf32>
    %add3A_50 = arith.addf %add3A_43, %mul3A_49 : vector<128x48xf32>
    %get3A_51 = arith.constant 0 : index
    %get3A_52 = arith.constant 10 : index
    %get3A_53 = vector.load %arg3[%get3A_51, %get3A_52] : memref<128x16xf32, #tpu.memory_space<vmem>>, vector<128x1xf32>
    %get3A_54 = arith.constant 0 : index
    %get3A_55 = arith.constant 3 : index
    %get3A_56 = vector.load %arg3[%get3A_54, %get3A_55] : memref<128x16xf32, #tpu.memory_space<vmem>>, vector<128x1xf32>
    %slice3A_57 = vector.extract_strided_slice %add3A_26 {offsets = [0, 0], sizes = [128, 48], strides = [1, 1]} : vector<128x144xf32> to vector<128x48xf32>
    %mul3A_58 = vector.broadcast %get3A_56 : vector<128x1xf32> to vector<128x48xf32>
    %mul3A_59 = arith.mulf %mul3A_58, %slice3A_57 : vector<128x48xf32>
    %add3A_60 = vector.broadcast %get3A_53 : vector<128x1xf32> to vector<128x48xf32>
    %add3A_61 = arith.addf %add3A_60, %mul3A_59 : vector<128x48xf32>
    %get3A_62 = arith.constant 0 : index
    %get3A_63 = arith.constant 4 : index
    %get3A_64 = vector.load %arg3[%get3A_62, %get3A_63] : memref<128x16xf32, #tpu.memory_space<vmem>>, vector<128x1xf32>
    %slice3A_65 = vector.extract_strided_slice %add3A_26 {offsets = [0, 48], sizes = [128, 48], strides = [1, 1]} : vector<128x144xf32> to vector<128x48xf32>
    %mul3A_66 = vector.broadcast %get3A_64 : vector<128x1xf32> to vector<128x48xf32>
    %mul3A_67 = arith.mulf %mul3A_66, %slice3A_65 : vector<128x48xf32>
    %add3A_68 = arith.addf %add3A_61, %mul3A_67 : vector<128x48xf32>
    %get3A_69 = arith.constant 0 : index
    %get3A_70 = arith.constant 5 : index
    %get3A_71 = vector.load %arg3[%get3A_69, %get3A_70] : memref<128x16xf32, #tpu.memory_space<vmem>>, vector<128x1xf32>
    %slice3A_72 = vector.extract_strided_slice %add3A_26 {offsets = [0, 96], sizes = [128, 48], strides = [1, 1]} : vector<128x144xf32> to vector<128x48xf32>
    %mul3A_73 = vector.broadcast %get3A_71 : vector<128x1xf32> to vector<128x48xf32>
    %mul3A_74 = arith.mulf %mul3A_73, %slice3A_72 : vector<128x48xf32>
    %add3A_75 = arith.addf %add3A_68, %mul3A_74 : vector<128x48xf32>
    %get3A_76 = arith.constant 0 : index
    %get3A_77 = arith.constant 11 : index
    %get3A_78 = vector.load %arg3[%get3A_76, %get3A_77] : memref<128x16xf32, #tpu.memory_space<vmem>>, vector<128x1xf32>
    %get3A_79 = arith.constant 0 : index
    %get3A_80 = arith.constant 6 : index
    %get3A_81 = vector.load %arg3[%get3A_79, %get3A_80] : memref<128x16xf32, #tpu.memory_space<vmem>>, vector<128x1xf32>
    %slice3A_82 = vector.extract_strided_slice %add3A_26 {offsets = [0, 0], sizes = [128, 48], strides = [1, 1]} : vector<128x144xf32> to vector<128x48xf32>
    %mul3A_83 = vector.broadcast %get3A_81 : vector<128x1xf32> to vector<128x48xf32>
    %mul3A_84 = arith.mulf %mul3A_83, %slice3A_82 : vector<128x48xf32>
    %add3A_85 = vector.broadcast %get3A_78 : vector<128x1xf32> to vector<128x48xf32>
    %add3A_86 = arith.addf %add3A_85, %mul3A_84 : vector<128x48xf32>
    %get3A_87 = arith.constant 0 : index
    %get3A_88 = arith.constant 7 : index
    %get3A_89 = vector.load %arg3[%get3A_87, %get3A_88] : memref<128x16xf32, #tpu.memory_space<vmem>>, vector<128x1xf32>
    %slice3A_90 = vector.extract_strided_slice %add3A_26 {offsets = [0, 48], sizes = [128, 48], strides = [1, 1]} : vector<128x144xf32> to vector<128x48xf32>
    %mul3A_91 = vector.broadcast %get3A_89 : vector<128x1xf32> to vector<128x48xf32>
    %mul3A_92 = arith.mulf %mul3A_91, %slice3A_90 : vector<128x48xf32>
    %add3A_93 = arith.addf %add3A_86, %mul3A_92 : vector<128x48xf32>
    %get3A_94 = arith.constant 0 : index
    %get3A_95 = arith.constant 8 : index
    %get3A_96 = vector.load %arg3[%get3A_94, %get3A_95] : memref<128x16xf32, #tpu.memory_space<vmem>>, vector<128x1xf32>
    %slice3A_97 = vector.extract_strided_slice %add3A_26 {offsets = [0, 96], sizes = [128, 48], strides = [1, 1]} : vector<128x144xf32> to vector<128x48xf32>
    %mul3A_98 = vector.broadcast %get3A_96 : vector<128x1xf32> to vector<128x48xf32>
    %mul3A_99 = arith.mulf %mul3A_98, %slice3A_97 : vector<128x48xf32>
    %add3A_100 = arith.addf %add3A_93, %mul3A_99 : vector<128x48xf32>
    %concatenate3A = tpu.concatenate %add3A_16, %add3A_50, %add3A_75, %add3A_100 in 1 : vector<128x192xf32>, vector<128x48xf32>, vector<128x48xf32>, vector<128x48xf32> -> vector<128x336xf32>
    %get3A_101 = arith.constant 0 : index
    %get3A_102 = arith.constant 0 : index
    %get3A_103 = vector.load %arg19[%get3A_101, %get3A_102] : memref<1x12xf32, #tpu.memory_space<vmem>>, vector<1x12xf32>
    %exp3A = math.exp %get3A_103 : vector<1x12xf32>
    %log1p3A = math.log1p %exp3A : vector<1x12xf32>
    %broadcast_in_dim3A = arith.constant -1.000000e+30 : f32
    %broadcast_in_dim3A_104 = vector.broadcast %broadcast_in_dim3A : f32 to vector<16x128xf32>
    %swap3A = arith.constant 0 : index
    %swap3A_105 = arith.constant 0 : index
    %swap3A_106 = vector.load %arg29[%swap3A, %swap3A_105] : memref<16x128xf32, #tpu.memory_space<vmem>>, vector<16x128xf32>
    tpu.vector_store %arg29[%swap3A, %swap3A_105], %broadcast_in_dim3A_104 {strides = array<i32>} : memref<16x128xf32, #tpu.memory_space<vmem>>, vector<16x128xf32>,
    %broadcast_in_dim3A_107 = arith.constant 0.000000e+00 : f32
    %broadcast_in_dim3A_108 = vector.broadcast %broadcast_in_dim3A_107 : f32 to vector<16x128xf32>
    %swap3A_109 = arith.constant 0 : index
    %swap3A_110 = arith.constant 0 : index
    %swap3A_111 = vector.load %arg30[%swap3A_109, %swap3A_110] : memref<16x128xf32, #tpu.memory_space<vmem>>, vector<16x128xf32>
    tpu.vector_store %arg30[%swap3A_109, %swap3A_110], %broadcast_in_dim3A_108 {strides = array<i32>} : memref<16x128xf32, #tpu.memory_space<vmem>>, vector<16x128xf32>,
    %broadcast_in_dim3A_112 = arith.constant 0.000000e+00 : f32
    %broadcast_in_dim3A_113 = vector.broadcast %broadcast_in_dim3A_112 : f32 to vector<192x128xf32>
    %swap3A_114 = arith.constant 0 : index
    %swap3A_115 = arith.constant 0 : index
    %swap3A_116 = vector.load %arg31[%swap3A_114, %swap3A_115] : memref<192x128xf32, #tpu.memory_space<vmem>>, vector<192x128xf32>
    tpu.vector_store %arg31[%swap3A_114, %swap3A_115], %broadcast_in_dim3A_113 {strides = array<i32>} : memref<192x128xf32, #tpu.memory_space<vmem>>, vector<192x128xf32>,
    %broadcast_in_dim3A_117 = arith.constant 0.000000e+00 : f32
    %broadcast_in_dim3A_118 = vector.broadcast %broadcast_in_dim3A_117 : f32 to vector<288x128xf32>
    %swap3A_119 = arith.constant 0 : index
    %swap3A_120 = arith.constant 0 : index
    %swap3A_121 = vector.load %arg32[%swap3A_119, %swap3A_120] : memref<288x128xf32, #tpu.memory_space<vmem>>, vector<288x128xf32>
    tpu.vector_store %arg32[%swap3A_119, %swap3A_120], %broadcast_in_dim3A_118 {strides = array<i32>} : memref<288x128xf32, #tpu.memory_space<vmem>>, vector<288x128xf32>,
    %broadcast_in_dim3A_122 = arith.constant 0.000000e+00 : f32
    %broadcast_in_dim3A_123 = vector.broadcast %broadcast_in_dim3A_122 : f32 to vector<48x128xf32>
    %swap3A_124 = arith.constant 0 : index
    %swap3A_125 = arith.constant 0 : index
    %swap3A_126 = vector.load %arg33[%swap3A_124, %swap3A_125] : memref<48x128xf32, #tpu.memory_space<vmem>>, vector<48x128xf32>
    tpu.vector_store %arg33[%swap3A_124, %swap3A_125], %broadcast_in_dim3A_123 {strides = array<i32>} : memref<48x128xf32, #tpu.memory_space<vmem>>, vector<48x128xf32>,
    %jit3A = arith.constant 8 : i32
    %div3A = arith.divsi %get3A_1, %jit3A : i32
    %sign3A = arith.constant 0 : i32
    %sign3A_127 = arith.cmpi sgt, %get3A_1, %sign3A : i32
    %sign3A_128 = arith.extui %sign3A_127 : i1 to i32
    %sign3A_129 = arith.constant 0 : i32
    %sign3A_130 = arith.cmpi slt, %get3A_1, %sign3A_129 : i32
    %sign3A_131 = arith.extui %sign3A_130 : i1 to i32
    %sign3A_132 = arith.subi %sign3A_128, %sign3A_131 : i32
    %sign3A_133 = arith.constant 0 : i32
    %sign3A_134 = arith.cmpi sgt, %jit3A, %sign3A_133 : i32
    %sign3A_135 = arith.extui %sign3A_134 : i1 to i32
    %sign3A_136 = arith.constant 0 : i32
    %sign3A_137 = arith.cmpi slt, %jit3A, %sign3A_136 : i32
    %sign3A_138 = arith.extui %sign3A_137 : i1 to i32
    %sign3A_139 = arith.subi %sign3A_135, %sign3A_138 : i32
    %ne3A = arith.cmpi ne, %sign3A_132, %sign3A_139 : i32
    %rem3A = arith.remsi %get3A_1, %jit3A : i32
    %ne3A_140 = arith.constant 0 : i32
    %ne3A_141 = arith.cmpi ne, %rem3A, %ne3A_140 : i32
    %and3A = arith.andi %ne3A, %ne3A_141 : i1
    %sub3A = arith.constant 1 : i32
    %sub3A_142 = arith.subi %div3A, %sub3A : i32
    %select_n3A = arith.select %and3A, %sub3A_142, %div3A : i32
    %mul3A_143 = arith.constant 8 : i32
    %mul3A_144 = arith.muli %select_n3A, %mul3A_143 : i32
    %sub3A_145 = arith.subi %get3A_4, %mul3A_144 : i32
    %add3A_146 = arith.constant 512 : i32
    %add3A_147 = arith.addi %sub3A_145, %add3A_146 : i32
    %sub3A_148 = arith.constant 1 : i32
    %sub3A_149 = arith.subi %add3A_147, %sub3A_148 : i32
    %jit3A_150 = arith.constant 512 : i32
    %div3A_151 = arith.divsi %sub3A_149, %jit3A_150 : i32
    %sign3A_152 = arith.constant 0 : i32
    %sign3A_153 = arith.cmpi sgt, %sub3A_149, %sign3A_152 : i32
    %sign3A_154 = arith.extui %sign3A_153 : i1 to i32
    %sign3A_155 = arith.constant 0 : i32
    %sign3A_156 = arith.cmpi slt, %sub3A_149, %sign3A_155 : i32
    %sign3A_157 = arith.extui %sign3A_156 : i1 to i32
    %sign3A_158 = arith.subi %sign3A_154, %sign3A_157 : i32
    %sign3A_159 = arith.constant 0 : i32
    %sign3A_160 = arith.cmpi sgt, %jit3A_150, %sign3A_159 : i32
    %sign3A_161 = arith.extui %sign3A_160 : i1 to i32
    %sign3A_162 = arith.constant 0 : i32
    %sign3A_163 = arith.cmpi slt, %jit3A_150, %sign3A_162 : i32
    %sign3A_164 = arith.extui %sign3A_163 : i1 to i32
    %sign3A_165 = arith.subi %sign3A_161, %sign3A_164 : i32
    %ne3A_166 = arith.cmpi ne, %sign3A_158, %sign3A_165 : i32
    %rem3A_167 = arith.remsi %sub3A_149, %jit3A_150 : i32
    %ne3A_168 = arith.constant 0 : i32
    %ne3A_169 = arith.cmpi ne, %rem3A_167, %ne3A_168 : i32
    %and3A_170 = arith.andi %ne3A_166, %ne3A_169 : i1
    %sub3A_171 = arith.constant 1 : i32
    %sub3A_172 = arith.subi %div3A_151, %sub3A_171 : i32
    %select_n3A_173 = arith.select %and3A_170, %sub3A_172, %div3A_151 : i32
    %while3A = arith.constant 0 : i32
    %while3A_174 = arith.constant 0 : i32
    %while3A_175 = arith.subi %select_n3A_173, %while3A : i32
    %while3A_176 = arith.addi %while3A, %while3A_175 : i32
    %while3A_177 = arith.constant 1 : i32
    %while3A_178 = arith.divsi %while3A_175, %while3A_177 : i32
    %while3A_179 = arith.muli %while3A_178, %while3A_177 : i32
    %while3A_180 = arith.addi %while3A, %while3A_179 : i32
    %while3A_181 = arith.constant 1 : i32
    %while3A_182 = scf.for %while3A_318 = %while3A to %while3A_180 step %while3A_181 iter_args(%while3A_319 = %while3A_174) -> (i32)  : i32 {
      %mul3A_320 = arith.constant 512 : i32
      %mul3A_321 = arith.muli %while3A_318, %mul3A_320 : i32
      %add3A_322 = arith.addi %mul3A_144, %mul3A_321 : i32
      %dma_start3A = arith.constant 0 : i32
      %dma_start3A_323 = tpu.memref_slice %arg22[%add3A_322, %dma_start3A] : memref<320512x256xf32, #tpu.memory_space<any>> -> memref<512x256xf32, #tpu.memory_space<any>>
      tpu.enqueue_dma source(%dma_start3A_323 : memref<512x256xf32, #tpu.memory_space<any>>) target(%arg26 : memref<512x256xf32, #tpu.memory_space<vmem>>) target_semaphore(%arg34 : memref<!tpu.dma_semaphore, #tpu.memory_space<semaphore_mem>>)
      %dma_start3A_324 = arith.constant 0 : i32
      %dma_start3A_325 = tpu.memref_slice %arg23[%add3A_322, %dma_start3A_324] : memref<320512x128xf32, #tpu.memory_space<any>> -> memref<512x128xf32, #tpu.memory_space<any>>
      tpu.enqueue_dma source(%dma_start3A_325 : memref<512x128xf32, #tpu.memory_space<any>>) target(%arg27 : memref<512x128xf32, #tpu.memory_space<vmem>>) target_semaphore(%arg35 : memref<!tpu.dma_semaphore, #tpu.memory_space<semaphore_mem>>)
      %dma_start3A_326 = arith.constant 0 : i32
      %dma_start3A_327 = tpu.memref_slice %arg24[%add3A_322, %dma_start3A_326] : memref<320512x1xi32, #tpu.memory_space<any>> -> memref<512x1xi32, #tpu.memory_space<any>>
      tpu.enqueue_dma source(%dma_start3A_327 : memref<512x1xi32, #tpu.memory_space<any>>) target(%arg28 : memref<512x1xi32, #tpu.memory_space<vmem>>) target_semaphore(%arg36 : memref<!tpu.dma_semaphore, #tpu.memory_space<semaphore_mem>>)
      %dma_wait3A = arith.constant 0 : i32
      %dma_wait3A_328 = tpu.memref_slice %arg22[%add3A_322, %dma_wait3A] : memref<320512x256xf32, #tpu.memory_space<any>> -> memref<512x256xf32, #tpu.memory_space<any>>
      tpu.wait_dma2 semaphore(%arg34 : memref<!tpu.dma_semaphore, #tpu.memory_space<semaphore_mem>>) src(%dma_wait3A_328 : memref<512x256xf32, #tpu.memory_space<any>>) dst(%arg26 : memref<512x256xf32, #tpu.memory_space<vmem>>)
      %dma_wait3A_329 = arith.constant 0 : i32
      %dma_wait3A_330 = tpu.memref_slice %arg23[%add3A_322, %dma_wait3A_329] : memref<320512x128xf32, #tpu.memory_space<any>> -> memref<512x128xf32, #tpu.memory_space<any>>
      tpu.wait_dma2 semaphore(%arg35 : memref<!tpu.dma_semaphore, #tpu.memory_space<semaphore_mem>>) src(%dma_wait3A_330 : memref<512x128xf32, #tpu.memory_space<any>>) dst(%arg27 : memref<512x128xf32, #tpu.memory_space<vmem>>)
      %dma_wait3A_331 = arith.constant 0 : i32
      %dma_wait3A_332 = tpu.memref_slice %arg24[%add3A_322, %dma_wait3A_331] : memref<320512x1xi32, #tpu.memory_space<any>> -> memref<512x1xi32, #tpu.memory_space<any>>
      tpu.wait_dma2 semaphore(%arg36 : memref<!tpu.dma_semaphore, #tpu.memory_space<semaphore_mem>>) src(%dma_wait3A_332 : memref<512x1xi32, #tpu.memory_space<any>>) dst(%arg28 : memref<512x1xi32, #tpu.memory_space<vmem>>)
      %get3A_333 = arith.constant 0 : index
      %get3A_334 = arith.constant 0 : index
      %get3A_335 = vector.load %arg28[%get3A_333, %get3A_334] : memref<512x1xi32, #tpu.memory_space<vmem>>, vector<512x1xi32>
      %iota3A = tpu.iota {dimensions = array<i32: 0>} : vector<512x1xi32>
      %add3A_336 = vector.broadcast %add3A_322 : i32 to vector<512x1xi32>
      %add3A_337 = arith.addi %add3A_336, %iota3A : vector<512x1xi32>
      %ge3A = vector.broadcast %get3A_1 : i32 to vector<512x1xi32>
      %ge3A_338 = arith.cmpi sge, %add3A_337, %ge3A : vector<512x1xi32>
      %lt3A = vector.broadcast %get3A_4 : i32 to vector<512x1xi32>
      %lt3A_339 = arith.cmpi slt, %add3A_337, %lt3A : vector<512x1xi32>
      %and3A_340 = arith.andi %ge3A_338, %lt3A_339 : vector<512x1xi1>
      %sub3A_341 = vector.broadcast %mul3A_0 : i32 to vector<512x1xi32>
      %sub3A_342 = arith.subi %get3A_335, %sub3A_341 : vector<512x1xi32>
      %iota3A_343 = tpu.iota {dimensions = array<i32: 1>} : vector<512x128xi32>
      %eq3A = vector.broadcast %sub3A_342 : vector<512x1xi32> to vector<512x128xi32>
      %eq3A_344 = arith.cmpi eq, %eq3A, %iota3A_343 : vector<512x128xi32>
      %and3A_345 = vector.broadcast %and3A_340 : vector<512x1xi1> to vector<512x128xi1>
      %and3A_346 = arith.andi %eq3A_344, %and3A_345 : vector<512x128xi1>
      %convert_element_type3A = arith.extui %and3A_346 : vector<512x128xi1> to vector<512x128xi32>
      %convert_element_type3A_347 = arith.sitofp %convert_element_type3A : vector<512x128xi32> to vector<512x128xf32>
      %get3A_348 = arith.constant 0 : index
      %get3A_349 = arith.constant 0 : index
      %get3A_350 = vector.load %arg26[%get3A_348, %get3A_349] : memref<512x256xf32, #tpu.memory_space<vmem>>, vector<512x128xf32>
      %get3A_351 = arith.constant 0 : index
      %get3A_352 = arith.constant 0 : index
      %get3A_353 = vector.load %arg9[%get3A_351, %get3A_352] : memref<192x128xf32, #tpu.memory_space<vmem>>, vector<192x128xf32>
      %dot_general3A_354 = arith.constant dense<0.000000e+00> : vector<512x192xf32>
      %dot_general3A_355 = tpu.matmul %get3A_350, %get3A_353, %dot_general3A_354 {dimension_numbers = #tpu.dot_dimension_numbers<[1], [1], [0], [0], [0, 0, 1, 0], [], []>, transpose_lhs_hint = false} : vector<512x128xf32>, vector<192x128xf32>, vector<512x192xf32> -> vector<512x192xf32>
      %get3A_356 = arith.constant 0 : index
      %get3A_357 = arith.constant 0 : index
      %get3A_358 = vector.load %arg10[%get3A_356, %get3A_357] : memref<1x192xf32, #tpu.memory_space<vmem>>, vector<1x192xf32>
      %add3A_359 = vector.broadcast %get3A_358 : vector<1x192xf32> to vector<512x192xf32>
      %add3A_360 = arith.addf %dot_general3A_355, %add3A_359 : vector<512x192xf32>
      %get3A_361 = arith.constant 0 : index
      %get3A_362 = arith.constant 0 : index
      %get3A_363 = vector.load %arg11[%get3A_361, %get3A_362] : memref<192x128xf32, #tpu.memory_space<vmem>>, vector<192x128xf32>
      %dot_general3A_364 = arith.constant dense<0.000000e+00> : vector<512x192xf32>
      %dot_general3A_365 = tpu.matmul %get3A_350, %get3A_363, %dot_general3A_364 {dimension_numbers = #tpu.dot_dimension_numbers<[1], [1], [0], [0], [0, 0, 1, 0], [], []>, transpose_lhs_hint = false} : vector<512x128xf32>, vector<192x128xf32>, vector<512x192xf32> -> vector<512x192xf32>
      %get3A_366 = arith.constant 0 : index
      %get3A_367 = arith.constant 0 : index
      %get3A_368 = vector.load %arg12[%get3A_366, %get3A_367] : memref<1x192xf32, #tpu.memory_space<vmem>>, vector<1x192xf32>
      %add3A_369 = vector.broadcast %get3A_368 : vector<1x192xf32> to vector<512x192xf32>
      %add3A_370 = arith.addf %dot_general3A_365, %add3A_369 : vector<512x192xf32>
      %get3A_371 = arith.constant 0 : index
      %get3A_372 = arith.constant 0 : index
      %get3A_373 = vector.load %arg13[%get3A_371, %get3A_372] : memref<432x128xf32, #tpu.memory_space<vmem>>, vector<432x128xf32>
      %dot_general3A_374 = arith.constant dense<0.000000e+00> : vector<512x432xf32>
      %dot_general3A_375 = tpu.matmul %get3A_350, %get3A_373, %dot_general3A_374 {dimension_numbers = #tpu.dot_dimension_numbers<[1], [1], [0], [0], [0, 0, 1, 0], [], []>, transpose_lhs_hint = false} : vector<512x128xf32>, vector<432x128xf32>, vector<512x432xf32> -> vector<512x432xf32>
      %get3A_376 = arith.constant 0 : index
      %get3A_377 = arith.constant 0 : index
      %get3A_378 = vector.load %arg14[%get3A_376, %get3A_377] : memref<1x432xf32, #tpu.memory_space<vmem>>, vector<1x432xf32>
      %add3A_379 = vector.broadcast %get3A_378 : vector<1x432xf32> to vector<512x432xf32>
      %add3A_380 = arith.addf %dot_general3A_375, %add3A_379 : vector<512x432xf32>
      %get3A_381 = arith.constant 0 : index
      %get3A_382 = arith.constant 137 : index
      %get3A_383 = vector.load %arg26[%get3A_381, %get3A_382] : memref<512x256xf32, #tpu.memory_space<vmem>>, vector<512x1xf32>
      %get3A_384 = arith.constant 0 : index
      %get3A_385 = arith.constant 128 : index
      %get3A_386 = vector.load %arg26[%get3A_384, %get3A_385] : memref<512x256xf32, #tpu.memory_space<vmem>>, vector<512x1xf32>
      %slice3A_387 = vector.extract_strided_slice %add3A_380 {offsets = [0, 0], sizes = [512, 144], strides = [1, 1]} : vector<512x432xf32> to vector<512x144xf32>
      %mul3A_388 = vector.broadcast %get3A_386 : vector<512x1xf32> to vector<512x144xf32>
      %mul3A_389 = arith.mulf %mul3A_388, %slice3A_387 : vector<512x144xf32>
      %add3A_390 = vector.broadcast %get3A_383 : vector<512x1xf32> to vector<512x144xf32>
      %add3A_391 = arith.addf %add3A_390, %mul3A_389 : vector<512x144xf32>
      %get3A_392 = arith.constant 0 : index
      %get3A_393 = arith.constant 129 : index
      %get3A_394 = vector.load %arg26[%get3A_392, %get3A_393] : memref<512x256xf32, #tpu.memory_space<vmem>>, vector<512x1xf32>
      %slice3A_395 = vector.extract_strided_slice %add3A_380 {offsets = [0, 144], sizes = [512, 144], strides = [1, 1]} : vector<512x432xf32> to vector<512x144xf32>
      %mul3A_396 = vector.broadcast %get3A_394 : vector<512x1xf32> to vector<512x144xf32>
      %mul3A_397 = arith.mulf %mul3A_396, %slice3A_395 : vector<512x144xf32>
      %add3A_398 = arith.addf %add3A_391, %mul3A_397 : vector<512x144xf32>
      %get3A_399 = arith.constant 0 : index
      %get3A_400 = arith.constant 130 : index
      %get3A_401 = vector.load %arg26[%get3A_399, %get3A_400] : memref<512x256xf32, #tpu.memory_space<vmem>>, vector<512x1xf32>
      %slice3A_402 = vector.extract_strided_slice %add3A_380 {offsets = [0, 288], sizes = [512, 144], strides = [1, 1]} : vector<512x432xf32> to vector<512x144xf32>
      %mul3A_403 = vector.broadcast %get3A_401 : vector<512x1xf32> to vector<512x144xf32>
      %mul3A_404 = arith.mulf %mul3A_403, %slice3A_402 : vector<512x144xf32>
      %add3A_405 = arith.addf %add3A_398, %mul3A_404 : vector<512x144xf32>
      %slice3A_406 = vector.extract_strided_slice %add3A_405 {offsets = [0, 0], sizes = [512, 48], strides = [1, 1]} : vector<512x144xf32> to vector<512x48xf32>
      %slice3A_407 = vector.extract_strided_slice %add3A_405 {offsets = [0, 48], sizes = [512, 96], strides = [1, 1]} : vector<512x144xf32> to vector<512x96xf32>
      %get3A_408 = arith.constant 0 : index
      %get3A_409 = arith.constant 138 : index
      %get3A_410 = vector.load %arg26[%get3A_408, %get3A_409] : memref<512x256xf32, #tpu.memory_space<vmem>>, vector<512x1xf32>
      %get3A_411 = arith.constant 0 : index
      %get3A_412 = arith.constant 131 : index
      %get3A_413 = vector.load %arg26[%get3A_411, %get3A_412] : memref<512x256xf32, #tpu.memory_space<vmem>>, vector<512x1xf32>
      %slice3A_414 = vector.extract_strided_slice %add3A_380 {offsets = [0, 0], sizes = [512, 144], strides = [1, 1]} : vector<512x432xf32> to vector<512x144xf32>
      %mul3A_415 = vector.broadcast %get3A_413 : vector<512x1xf32> to vector<512x144xf32>
      %mul3A_416 = arith.mulf %mul3A_415, %slice3A_414 : vector<512x144xf32>
      %add3A_417 = vector.broadcast %get3A_410 : vector<512x1xf32> to vector<512x144xf32>
      %add3A_418 = arith.addf %add3A_417, %mul3A_416 : vector<512x144xf32>
      %get3A_419 = arith.constant 0 : index
      %get3A_420 = arith.constant 132 : index
      %get3A_421 = vector.load %arg26[%get3A_419, %get3A_420] : memref<512x256xf32, #tpu.memory_space<vmem>>, vector<512x1xf32>
      %slice3A_422 = vector.extract_strided_slice %add3A_380 {offsets = [0, 144], sizes = [512, 144], strides = [1, 1]} : vector<512x432xf32> to vector<512x144xf32>
      %mul3A_423 = vector.broadcast %get3A_421 : vector<512x1xf32> to vector<512x144xf32>
      %mul3A_424 = arith.mulf %mul3A_423, %slice3A_422 : vector<512x144xf32>
      %add3A_425 = arith.addf %add3A_418, %mul3A_424 : vector<512x144xf32>
      %get3A_426 = arith.constant 0 : index
      %get3A_427 = arith.constant 133 : index
      %get3A_428 = vector.load %arg26[%get3A_426, %get3A_427] : memref<512x256xf32, #tpu.memory_space<vmem>>, vector<512x1xf32>
      %slice3A_429 = vector.extract_strided_slice %add3A_380 {offsets = [0, 288], sizes = [512, 144], strides = [1, 1]} : vector<512x432xf32> to vector<512x144xf32>
      %mul3A_430 = vector.broadcast %get3A_428 : vector<512x1xf32> to vector<512x144xf32>
      %mul3A_431 = arith.mulf %mul3A_430, %slice3A_429 : vector<512x144xf32>
      %add3A_432 = arith.addf %add3A_425, %mul3A_431 : vector<512x144xf32>
      %slice3A_433 = vector.extract_strided_slice %add3A_432 {offsets = [0, 0], sizes = [512, 48], strides = [1, 1]} : vector<512x144xf32> to vector<512x48xf32>
      %slice3A_434 = vector.extract_strided_slice %add3A_432 {offsets = [0, 48], sizes = [512, 96], strides = [1, 1]} : vector<512x144xf32> to vector<512x96xf32>
      %get3A_435 = arith.constant 0 : index
      %get3A_436 = arith.constant 139 : index
      %get3A_437 = vector.load %arg26[%get3A_435, %get3A_436] : memref<512x256xf32, #tpu.memory_space<vmem>>, vector<512x1xf32>
      %get3A_438 = arith.constant 0 : index
      %get3A_439 = arith.constant 134 : index
      %get3A_440 = vector.load %arg26[%get3A_438, %get3A_439] : memref<512x256xf32, #tpu.memory_space<vmem>>, vector<512x1xf32>
      %slice3A_441 = vector.extract_strided_slice %add3A_380 {offsets = [0, 0], sizes = [512, 144], strides = [1, 1]} : vector<512x432xf32> to vector<512x144xf32>
      %mul3A_442 = vector.broadcast %get3A_440 : vector<512x1xf32> to vector<512x144xf32>
      %mul3A_443 = arith.mulf %mul3A_442, %slice3A_441 : vector<512x144xf32>
      %add3A_444 = vector.broadcast %get3A_437 : vector<512x1xf32> to vector<512x144xf32>
      %add3A_445 = arith.addf %add3A_444, %mul3A_443 : vector<512x144xf32>
      %get3A_446 = arith.constant 0 : index
      %get3A_447 = arith.constant 135 : index
      %get3A_448 = vector.load %arg26[%get3A_446, %get3A_447] : memref<512x256xf32, #tpu.memory_space<vmem>>, vector<512x1xf32>
      %slice3A_449 = vector.extract_strided_slice %add3A_380 {offsets = [0, 144], sizes = [512, 144], strides = [1, 1]} : vector<512x432xf32> to vector<512x144xf32>
      %mul3A_450 = vector.broadcast %get3A_448 : vector<512x1xf32> to vector<512x144xf32>
      %mul3A_451 = arith.mulf %mul3A_450, %slice3A_449 : vector<512x144xf32>
      %add3A_452 = arith.addf %add3A_445, %mul3A_451 : vector<512x144xf32>
      %get3A_453 = arith.constant 0 : index
      %get3A_454 = arith.constant 136 : index
      %get3A_455 = vector.load %arg26[%get3A_453, %get3A_454] : memref<512x256xf32, #tpu.memory_space<vmem>>, vector<512x1xf32>
      %slice3A_456 = vector.extract_strided_slice %add3A_380 {offsets = [0, 288], sizes = [512, 144], strides = [1, 1]} : vector<512x432xf32> to vector<512x144xf32>
      %mul3A_457 = vector.broadcast %get3A_455 : vector<512x1xf32> to vector<512x144xf32>
      %mul3A_458 = arith.mulf %mul3A_457, %slice3A_456 : vector<512x144xf32>
      %add3A_459 = arith.addf %add3A_452, %mul3A_458 : vector<512x144xf32>
      %slice3A_460 = vector.extract_strided_slice %add3A_459 {offsets = [0, 0], sizes = [512, 48], strides = [1, 1]} : vector<512x144xf32> to vector<512x48xf32>
      %slice3A_461 = vector.extract_strided_slice %add3A_459 {offsets = [0, 48], sizes = [512, 96], strides = [1, 1]} : vector<512x144xf32> to vector<512x96xf32>
      %concatenate3A_462 = tpu.concatenate %slice3A_406, %slice3A_433, %slice3A_460 in 1 : vector<512x48xf32>, vector<512x48xf32>, vector<512x48xf32> -> vector<512x144xf32>
      %concatenate3A_463 = tpu.concatenate %slice3A_407, %slice3A_434, %slice3A_461 in 1 : vector<512x96xf32>, vector<512x96xf32>, vector<512x96xf32> -> vector<512x288xf32>
      %dot_general3A_464 = arith.constant dense<0.000000e+00> : vector<512x336xf32>
      %dot_general3A_465 = tpu.matmul %convert_element_type3A_347, %concatenate3A, %dot_general3A_464 {dimension_numbers = #tpu.dot_dimension_numbers<[1], [0], [0], [1], [0, 0, 1, 1], [], []>, precision = #tpu.contract_precision<fp32>, transpose_lhs_hint = false} : vector<512x128xf32>, vector<128x336xf32>, vector<512x336xf32> -> vector<512x336xf32>
      %slice3A_466 = vector.extract_strided_slice %dot_general3A_465 {offsets = [0, 0], sizes = [512, 192], strides = [1, 1]} : vector<512x336xf32> to vector<512x192xf32>
      %mul3A_467 = arith.mulf %slice3A_466, %add3A_360 : vector<512x192xf32>
      %reshape3A_468 = vector.shape_cast %mul3A_467 : vector<512x192xf32> to vector<512x12x16xf32>
      %reduce_sum3A = arith.constant dense<0.000000e+00> : vector<512x12xf32>
      %reduce_sum3A_469 = vector.multi_reduction <add>, %reshape3A_468, %reduce_sum3A [2] : vector<512x12x16xf32> to vector<512x12xf32>
      %slice3A_470 = vector.extract_strided_slice %dot_general3A_465 {offsets = [0, 192], sizes = [512, 144], strides = [1, 1]} : vector<512x336xf32> to vector<512x144xf32>
      %sub3A_471 = arith.subf %slice3A_470, %concatenate3A_462 : vector<512x144xf32>
      %mul3A_472 = arith.mulf %sub3A_471, %sub3A_471 : vector<512x144xf32>
      %slice3A_473 = vector.extract_strided_slice %mul3A_472 {offsets = [0, 0], sizes = [512, 48], strides = [1, 1]} : vector<512x144xf32> to vector<512x48xf32>
      %slice3A_474 = vector.extract_strided_slice %mul3A_472 {offsets = [0, 48], sizes = [512, 48], strides = [1, 1]} : vector<512x144xf32> to vector<512x48xf32>
      %add3A_475 = arith.addf %slice3A_473, %slice3A_474 : vector<512x48xf32>
      %slice3A_476 = vector.extract_strided_slice %mul3A_472 {offsets = [0, 96], sizes = [512, 48], strides = [1, 1]} : vector<512x144xf32> to vector<512x48xf32>
      %add3A_477 = arith.addf %add3A_475, %slice3A_476 : vector<512x48xf32>
      %reshape3A_478 = vector.shape_cast %add3A_477 : vector<512x48xf32> to vector<512x12x4xf32>
      %reduce_sum3A_479 = arith.constant dense<0.000000e+00> : vector<512x12xf32>
      %reduce_sum3A_480 = vector.multi_reduction <add>, %reshape3A_478, %reduce_sum3A_479 [2] : vector<512x12x4xf32> to vector<512x12xf32>
      %get3A_481 = arith.constant 0 : index
      %get3A_482 = arith.constant 0 : index
      %get3A_483 = vector.load %arg27[%get3A_481, %get3A_482] : memref<512x128xf32, #tpu.memory_space<vmem>>, vector<512x16xf32>
      %get3A_484 = arith.constant 0 : index
      %get3A_485 = arith.constant 0 : index
      %get3A_486 = vector.load %arg15[%get3A_484, %get3A_485] : memref<12x16xf32, #tpu.memory_space<vmem>>, vector<12x16xf32>
      %dot_general3A_487 = arith.constant dense<0.000000e+00> : vector<512x12xf32>
      %dot_general3A_488 = tpu.matmul %get3A_483, %get3A_486, %dot_general3A_487 {dimension_numbers = #tpu.dot_dimension_numbers<[1], [1], [0], [0], [0, 0, 1, 0], [], []>, transpose_lhs_hint = false} : vector<512x16xf32>, vector<12x16xf32>, vector<512x12xf32> -> vector<512x12xf32>
      %get3A_489 = arith.constant 0 : index
      %get3A_490 = arith.constant 0 : index
      %get3A_491 = vector.load %arg16[%get3A_489, %get3A_490] : memref<1x12xf32, #tpu.memory_space<vmem>>, vector<1x12xf32>
      %add3A_492 = vector.broadcast %get3A_491 : vector<1x12xf32> to vector<512x12xf32>
      %add3A_493 = arith.addf %dot_general3A_488, %add3A_492 : vector<512x12xf32>
      %mul3A_494 = arith.constant 0.144337565 : f32
      %mul3A_495 = vector.broadcast %mul3A_494 : f32 to vector<512x12xf32>
      %mul3A_496 = arith.mulf %reduce_sum3A_469, %mul3A_495 : vector<512x12xf32>
      %mul3A_497 = arith.constant 0.577350259 : f32
      %mul3A_498 = vector.broadcast %mul3A_497 : f32 to vector<512x12xf32>
      %mul3A_499 = arith.mulf %add3A_493, %mul3A_498 : vector<512x12xf32>
      %add3A_500 = arith.addf %mul3A_496, %mul3A_499 : vector<512x12xf32>
      %mul3A_501 = arith.constant 0.0680413842 : f32
      %mul3A_502 = vector.broadcast %mul3A_501 : f32 to vector<1x12xf32>
      %mul3A_503 = arith.mulf %mul3A_502, %log1p3A : vector<1x12xf32>
      %mul3A_504 = vector.broadcast %mul3A_503 : vector<1x12xf32> to vector<512x12xf32>
      %mul3A_505 = arith.mulf %mul3A_504, %reduce_sum3A_480 : vector<512x12xf32>
      %sub3A_506 = arith.subf %add3A_500, %mul3A_505 : vector<512x12xf32>
      %jit3A_507 = arith.constant -1.000000e+30 : f32
      %broadcast_in_dim3A_508 = vector.shape_cast %and3A_340 : vector<512x1xi1> to vector<512x1xi1>
      %broadcast_in_dim3A_509 = vector.broadcast %broadcast_in_dim3A_508 : vector<512x1xi1> to vector<512x12xi1>
      %broadcast_in_dim3A_510 = vector.broadcast %jit3A_507 : f32 to vector<512x12xf32>
      %select_n3A_511 = arith.select %broadcast_in_dim3A_509, %sub3A_506, %broadcast_in_dim3A_510 : vector<512x12xi1>, vector<512x12xf32>
      %get3A_512 = arith.constant 0 : index
      %get3A_513 = arith.constant 0 : index
      %get3A_514 = vector.load %arg29[%get3A_512, %get3A_513] : memref<16x128xf32, #tpu.memory_space<vmem>>, vector<16x128xf32>
      %slice3A_515 = vector.extract_strided_slice %select_n3A_511 {offsets = [0, 0], sizes = [512, 1], strides = [1, 1]} : vector<512x12xf32> to vector<512x1xf32>
      %jit3A_516 = arith.constant -1.000000e+30 : f32
      %broadcast_in_dim3A_517 = vector.shape_cast %slice3A_515 : vector<512x1xf32> to vector<512x1xf32>
      %broadcast_in_dim3A_518 = vector.broadcast %broadcast_in_dim3A_517 : vector<512x1xf32> to vector<512x128xf32>
      %broadcast_in_dim3A_519 = vector.broadcast %jit3A_516 : f32 to vector<512x128xf32>
      %select_n3A_520 = arith.select %and3A_346, %broadcast_in_dim3A_518, %broadcast_in_dim3A_519 : vector<512x128xi1>, vector<512x128xf32>
      %reduce_max3A = arith.constant dense<0xFF800000> : vector<128xf32>
      %reduce_max3A_521 = vector.multi_reduction <maximumf>, %select_n3A_520, %reduce_max3A [0] : vector<512x128xf32> to vector<128xf32>
      %broadcast_in_dim3A_522 = vector.shape_cast %reduce_max3A_521 : vector<128xf32> to vector<1x128xf32>
      %slice3A_523 = vector.extract_strided_slice %select_n3A_511 {offsets = [0, 1], sizes = [512, 1], strides = [1, 1]} : vector<512x12xf32> to vector<512x1xf32>
      %jit3A_524 = arith.constant -1.000000e+30 : f32
      %broadcast_in_dim3A_525 = vector.shape_cast %slice3A_523 : vector<512x1xf32> to vector<512x1xf32>
      %broadcast_in_dim3A_526 = vector.broadcast %broadcast_in_dim3A_525 : vector<512x1xf32> to vector<512x128xf32>
      %broadcast_in_dim3A_527 = vector.broadcast %jit3A_524 : f32 to vector<512x128xf32>
      %select_n3A_528 = arith.select %and3A_346, %broadcast_in_dim3A_526, %broadcast_in_dim3A_527 : vector<512x128xi1>, vector<512x128xf32>
      %reduce_max3A_529 = arith.constant dense<0xFF800000> : vector<128xf32>
      %reduce_max3A_530 = vector.multi_reduction <maximumf>, %select_n3A_528, %reduce_max3A_529 [0] : vector<512x128xf32> to vector<128xf32>
      %broadcast_in_dim3A_531 = vector.shape_cast %reduce_max3A_530 : vector<128xf32> to vector<1x128xf32>
      %slice3A_532 = vector.extract_strided_slice %select_n3A_511 {offsets = [0, 2], sizes = [512, 1], strides = [1, 1]} : vector<512x12xf32> to vector<512x1xf32>
      %jit3A_533 = arith.constant -1.000000e+30 : f32
      %broadcast_in_dim3A_534 = vector.shape_cast %slice3A_532 : vector<512x1xf32> to vector<512x1xf32>
      %broadcast_in_dim3A_535 = vector.broadcast %broadcast_in_dim3A_534 : vector<512x1xf32> to vector<512x128xf32>
      %broadcast_in_dim3A_536 = vector.broadcast %jit3A_533 : f32 to vector<512x128xf32>
      %select_n3A_537 = arith.select %and3A_346, %broadcast_in_dim3A_535, %broadcast_in_dim3A_536 : vector<512x128xi1>, vector<512x128xf32>
      %reduce_max3A_538 = arith.constant dense<0xFF800000> : vector<128xf32>
      %reduce_max3A_539 = vector.multi_reduction <maximumf>, %select_n3A_537, %reduce_max3A_538 [0] : vector<512x128xf32> to vector<128xf32>
      %broadcast_in_dim3A_540 = vector.shape_cast %reduce_max3A_539 : vector<128xf32> to vector<1x128xf32>
      %slice3A_541 = vector.extract_strided_slice %select_n3A_511 {offsets = [0, 3], sizes = [512, 1], strides = [1, 1]} : vector<512x12xf32> to vector<512x1xf32>
      %jit3A_542 = arith.constant -1.000000e+30 : f32
      %broadcast_in_dim3A_543 = vector.shape_cast %slice3A_541 : vector<512x1xf32> to vector<512x1xf32>
      %broadcast_in_dim3A_544 = vector.broadcast %broadcast_in_dim3A_543 : vector<512x1xf32> to vector<512x128xf32>
      %broadcast_in_dim3A_545 = vector.broadcast %jit3A_542 : f32 to vector<512x128xf32>
      %select_n3A_546 = arith.select %and3A_346, %broadcast_in_dim3A_544, %broadcast_in_dim3A_545 : vector<512x128xi1>, vector<512x128xf32>
      %reduce_max3A_547 = arith.constant dense<0xFF800000> : vector<128xf32>
      %reduce_max3A_548 = vector.multi_reduction <maximumf>, %select_n3A_546, %reduce_max3A_547 [0] : vector<512x128xf32> to vector<128xf32>
      %broadcast_in_dim3A_549 = vector.shape_cast %reduce_max3A_548 : vector<128xf32> to vector<1x128xf32>
      %slice3A_550 = vector.extract_strided_slice %select_n3A_511 {offsets = [0, 4], sizes = [512, 1], strides = [1, 1]} : vector<512x12xf32> to vector<512x1xf32>
      %jit3A_551 = arith.constant -1.000000e+30 : f32
      %broadcast_in_dim3A_552 = vector.shape_cast %slice3A_550 : vector<512x1xf32> to vector<512x1xf32>
      %broadcast_in_dim3A_553 = vector.broadcast %broadcast_in_dim3A_552 : vector<512x1xf32> to vector<512x128xf32>
      %broadcast_in_dim3A_554 = vector.broadcast %jit3A_551 : f32 to vector<512x128xf32>
      %select_n3A_555 = arith.select %and3A_346, %broadcast_in_dim3A_553, %broadcast_in_dim3A_554 : vector<512x128xi1>, vector<512x128xf32>
      %reduce_max3A_556 = arith.constant dense<0xFF800000> : vector<128xf32>
      %reduce_max3A_557 = vector.multi_reduction <maximumf>, %select_n3A_555, %reduce_max3A_556 [0] : vector<512x128xf32> to vector<128xf32>
      %broadcast_in_dim3A_558 = vector.shape_cast %reduce_max3A_557 : vector<128xf32> to vector<1x128xf32>
      %slice3A_559 = vector.extract_strided_slice %select_n3A_511 {offsets = [0, 5], sizes = [512, 1], strides = [1, 1]} : vector<512x12xf32> to vector<512x1xf32>
      %jit3A_560 = arith.constant -1.000000e+30 : f32
      %broadcast_in_dim3A_561 = vector.shape_cast %slice3A_559 : vector<512x1xf32> to vector<512x1xf32>
      %broadcast_in_dim3A_562 = vector.broadcast %broadcast_in_dim3A_561 : vector<512x1xf32> to vector<512x128xf32>
      %broadcast_in_dim3A_563 = vector.broadcast %jit3A_560 : f32 to vector<512x128xf32>
      %select_n3A_564 = arith.select %and3A_346, %broadcast_in_dim3A_562, %broadcast_in_dim3A_563 : vector<512x128xi1>, vector<512x128xf32>
      %reduce_max3A_565 = arith.constant dense<0xFF800000> : vector<128xf32>
      %reduce_max3A_566 = vector.multi_reduction <maximumf>, %select_n3A_564, %reduce_max3A_565 [0] : vector<512x128xf32> to vector<128xf32>
      %broadcast_in_dim3A_567 = vector.shape_cast %reduce_max3A_566 : vector<128xf32> to vector<1x128xf32>
      %slice3A_568 = vector.extract_strided_slice %select_n3A_511 {offsets = [0, 6], sizes = [512, 1], strides = [1, 1]} : vector<512x12xf32> to vector<512x1xf32>
      %jit3A_569 = arith.constant -1.000000e+30 : f32
      %broadcast_in_dim3A_570 = vector.shape_cast %slice3A_568 : vector<512x1xf32> to vector<512x1xf32>
      %broadcast_in_dim3A_571 = vector.broadcast %broadcast_in_dim3A_570 : vector<512x1xf32> to vector<512x128xf32>
      %broadcast_in_dim3A_572 = vector.broadcast %jit3A_569 : f32 to vector<512x128xf32>
      %select_n3A_573 = arith.select %and3A_346, %broadcast_in_dim3A_571, %broadcast_in_dim3A_572 : vector<512x128xi1>, vector<512x128xf32>
      %reduce_max3A_574 = arith.constant dense<0xFF800000> : vector<128xf32>
      %reduce_max3A_575 = vector.multi_reduction <maximumf>, %select_n3A_573, %reduce_max3A_574 [0] : vector<512x128xf32> to vector<128xf32>
      %broadcast_in_dim3A_576 = vector.shape_cast %reduce_max3A_575 : vector<128xf32> to vector<1x128xf32>
      %slice3A_577 = vector.extract_strided_slice %select_n3A_511 {offsets = [0, 7], sizes = [512, 1], strides = [1, 1]} : vector<512x12xf32> to vector<512x1xf32>
      %jit3A_578 = arith.constant -1.000000e+30 : f32
      %broadcast_in_dim3A_579 = vector.shape_cast %slice3A_577 : vector<512x1xf32> to vector<512x1xf32>
      %broadcast_in_dim3A_580 = vector.broadcast %broadcast_in_dim3A_579 : vector<512x1xf32> to vector<512x128xf32>
      %broadcast_in_dim3A_581 = vector.broadcast %jit3A_578 : f32 to vector<512x128xf32>
      %select_n3A_582 = arith.select %and3A_346, %broadcast_in_dim3A_580, %broadcast_in_dim3A_581 : vector<512x128xi1>, vector<512x128xf32>
      %reduce_max3A_583 = arith.constant dense<0xFF800000> : vector<128xf32>
      %reduce_max3A_584 = vector.multi_reduction <maximumf>, %select_n3A_582, %reduce_max3A_583 [0] : vector<512x128xf32> to vector<128xf32>
      %broadcast_in_dim3A_585 = vector.shape_cast %reduce_max3A_584 : vector<128xf32> to vector<1x128xf32>
      %slice3A_586 = vector.extract_strided_slice %select_n3A_511 {offsets = [0, 8], sizes = [512, 1], strides = [1, 1]} : vector<512x12xf32> to vector<512x1xf32>
      %jit3A_587 = arith.constant -1.000000e+30 : f32
      %broadcast_in_dim3A_588 = vector.shape_cast %slice3A_586 : vector<512x1xf32> to vector<512x1xf32>
      %broadcast_in_dim3A_589 = vector.broadcast %broadcast_in_dim3A_588 : vector<512x1xf32> to vector<512x128xf32>
      %broadcast_in_dim3A_590 = vector.broadcast %jit3A_587 : f32 to vector<512x128xf32>
      %select_n3A_591 = arith.select %and3A_346, %broadcast_in_dim3A_589, %broadcast_in_dim3A_590 : vector<512x128xi1>, vector<512x128xf32>
      %reduce_max3A_592 = arith.constant dense<0xFF800000> : vector<128xf32>
      %reduce_max3A_593 = vector.multi_reduction <maximumf>, %select_n3A_591, %reduce_max3A_592 [0] : vector<512x128xf32> to vector<128xf32>
      %broadcast_in_dim3A_594 = vector.shape_cast %reduce_max3A_593 : vector<128xf32> to vector<1x128xf32>
      %slice3A_595 = vector.extract_strided_slice %select_n3A_511 {offsets = [0, 9], sizes = [512, 1], strides = [1, 1]} : vector<512x12xf32> to vector<512x1xf32>
      %jit3A_596 = arith.constant -1.000000e+30 : f32
      %broadcast_in_dim3A_597 = vector.shape_cast %slice3A_595 : vector<512x1xf32> to vector<512x1xf32>
      %broadcast_in_dim3A_598 = vector.broadcast %broadcast_in_dim3A_597 : vector<512x1xf32> to vector<512x128xf32>
      %broadcast_in_dim3A_599 = vector.broadcast %jit3A_596 : f32 to vector<512x128xf32>
      %select_n3A_600 = arith.select %and3A_346, %broadcast_in_dim3A_598, %broadcast_in_dim3A_599 : vector<512x128xi1>, vector<512x128xf32>
      %reduce_max3A_601 = arith.constant dense<0xFF800000> : vector<128xf32>
      %reduce_max3A_602 = vector.multi_reduction <maximumf>, %select_n3A_600, %reduce_max3A_601 [0] : vector<512x128xf32> to vector<128xf32>
      %broadcast_in_dim3A_603 = vector.shape_cast %reduce_max3A_602 : vector<128xf32> to vector<1x128xf32>
      %slice3A_604 = vector.extract_strided_slice %select_n3A_511 {offsets = [0, 10], sizes = [512, 1], strides = [1, 1]} : vector<512x12xf32> to vector<512x1xf32>
      %jit3A_605 = arith.constant -1.000000e+30 : f32
      %broadcast_in_dim3A_606 = vector.shape_cast %slice3A_604 : vector<512x1xf32> to vector<512x1xf32>
      %broadcast_in_dim3A_607 = vector.broadcast %broadcast_in_dim3A_606 : vector<512x1xf32> to vector<512x128xf32>
      %broadcast_in_dim3A_608 = vector.broadcast %jit3A_605 : f32 to vector<512x128xf32>
      %select_n3A_609 = arith.select %and3A_346, %broadcast_in_dim3A_607, %broadcast_in_dim3A_608 : vector<512x128xi1>, vector<512x128xf32>
      %reduce_max3A_610 = arith.constant dense<0xFF800000> : vector<128xf32>
      %reduce_max3A_611 = vector.multi_reduction <maximumf>, %select_n3A_609, %reduce_max3A_610 [0] : vector<512x128xf32> to vector<128xf32>
      %broadcast_in_dim3A_612 = vector.shape_cast %reduce_max3A_611 : vector<128xf32> to vector<1x128xf32>
      %slice3A_613 = vector.extract_strided_slice %select_n3A_511 {offsets = [0, 11], sizes = [512, 1], strides = [1, 1]} : vector<512x12xf32> to vector<512x1xf32>
      %jit3A_614 = arith.constant -1.000000e+30 : f32
      %broadcast_in_dim3A_615 = vector.shape_cast %slice3A_613 : vector<512x1xf32> to vector<512x1xf32>
      %broadcast_in_dim3A_616 = vector.broadcast %broadcast_in_dim3A_615 : vector<512x1xf32> to vector<512x128xf32>
      %broadcast_in_dim3A_617 = vector.broadcast %jit3A_614 : f32 to vector<512x128xf32>
      %select_n3A_618 = arith.select %and3A_346, %broadcast_in_dim3A_616, %broadcast_in_dim3A_617 : vector<512x128xi1>, vector<512x128xf32>
      %reduce_max3A_619 = arith.constant dense<0xFF800000> : vector<128xf32>
      %reduce_max3A_620 = vector.multi_reduction <maximumf>, %select_n3A_618, %reduce_max3A_619 [0] : vector<512x128xf32> to vector<128xf32>
      %broadcast_in_dim3A_621 = vector.shape_cast %reduce_max3A_620 : vector<128xf32> to vector<1x128xf32>
      %broadcast_in_dim3A_622 = arith.constant -1.000000e+30 : f32
      %broadcast_in_dim3A_623 = vector.broadcast %broadcast_in_dim3A_622 : f32 to vector<4x128xf32>
      %concatenate3A_624 = tpu.concatenate %broadcast_in_dim3A_522, %broadcast_in_dim3A_531, %broadcast_in_dim3A_540, %broadcast_in_dim3A_549, %broadcast_in_dim3A_558, %broadcast_in_dim3A_567, %broadcast_in_dim3A_576, %broadcast_in_dim3A_585, %broadcast_in_dim3A_594, %broadcast_in_dim3A_603, %broadcast_in_dim3A_612, %broadcast_in_dim3A_621, %broadcast_in_dim3A_623 in 0 : vector<1x128xf32>, vector<1x128xf32>, vector<1x128xf32>, vector<1x128xf32>, vector<1x128xf32>, vector<1x128xf32>, vector<1x128xf32>, vector<1x128xf32>, vector<1x128xf32>, vector<1x128xf32>, vector<1x128xf32>, vector<1x128xf32>, vector<4x128xf32> -> vector<16x128xf32>
      %max3A = arith.maximumf %get3A_514, %concatenate3A_624 : vector<16x128xf32>
      %sub3A_625 = arith.subf %get3A_514, %max3A : vector<16x128xf32>
      %exp3A_626 = math.exp %sub3A_625 : vector<16x128xf32>
      %swap3A_627 = arith.constant 0 : index
      %swap3A_628 = arith.constant 0 : index
      %swap3A_629 = vector.load %arg29[%swap3A_627, %swap3A_628] : memref<16x128xf32, #tpu.memory_space<vmem>>, vector<16x128xf32>
      tpu.vector_store %arg29[%swap3A_627, %swap3A_628], %max3A {strides = array<i32>} : memref<16x128xf32, #tpu.memory_space<vmem>>, vector<16x128xf32>,
      %get3A_630 = arith.constant 0 : index
      %get3A_631 = arith.constant 0 : index
      %get3A_632 = vector.load %arg30[%get3A_630, %get3A_631] : memref<16x128xf32, #tpu.memory_space<vmem>>, vector<16x128xf32>
      %mul3A_633 = arith.mulf %get3A_632, %exp3A_626 : vector<16x128xf32>
      %swap3A_634 = arith.constant 0 : index
      %swap3A_635 = arith.constant 0 : index
      %swap3A_636 = vector.load %arg30[%swap3A_634, %swap3A_635] : memref<16x128xf32, #tpu.memory_space<vmem>>, vector<16x128xf32>
      tpu.vector_store %arg30[%swap3A_634, %swap3A_635], %mul3A_633 {strides = array<i32>} : memref<16x128xf32, #tpu.memory_space<vmem>>, vector<16x128xf32>,
      %slice3A_637 = vector.extract_strided_slice %exp3A_626 {offsets = [0, 0], sizes = [12, 128], strides = [1, 1]} : vector<16x128xf32> to vector<12x128xf32>
      %broadcast_in_dim3A_638 = vector.shape_cast %slice3A_637 : vector<12x128xf32> to vector<12x1x128xf32>
      %broadcast_in_dim3A_639 = vector.shape_cast %broadcast_in_dim3A_638 : vector<12x1x128xf32> to vector<12x1x128xf32>
      %broadcast_in_dim3A_640 = vector.broadcast %broadcast_in_dim3A_639 : vector<12x1x128xf32> to vector<12x16x128xf32>
      %reshape3A_641 = vector.shape_cast %broadcast_in_dim3A_640 : vector<12x16x128xf32> to vector<192x128xf32>
      %broadcast_in_dim3A_642 = vector.shape_cast %slice3A_637 : vector<12x128xf32> to vector<12x1x128xf32>
      %broadcast_in_dim3A_643 = vector.shape_cast %broadcast_in_dim3A_642 : vector<12x1x128xf32> to vector<12x1x128xf32>
      %broadcast_in_dim3A_644 = vector.broadcast %broadcast_in_dim3A_643 : vector<12x1x128xf32> to vector<12x8x128xf32>
      %reshape3A_645 = vector.shape_cast %broadcast_in_dim3A_644 : vector<12x8x128xf32> to vector<96x128xf32>
      %get3A_646 = arith.constant 0 : index
      %get3A_647 = arith.constant 0 : index
      %get3A_648 = vector.load %arg31[%get3A_646, %get3A_647] : memref<192x128xf32, #tpu.memory_space<vmem>>, vector<192x128xf32>
      %mul3A_649 = arith.mulf %get3A_648, %reshape3A_641 : vector<192x128xf32>
      %swap3A_650 = arith.constant 0 : index
      %swap3A_651 = arith.constant 0 : index
      %swap3A_652 = vector.load %arg31[%swap3A_650, %swap3A_651] : memref<192x128xf32, #tpu.memory_space<vmem>>, vector<192x128xf32>
      tpu.vector_store %arg31[%swap3A_650, %swap3A_651], %mul3A_649 {strides = array<i32>} : memref<192x128xf32, #tpu.memory_space<vmem>>, vector<192x128xf32>,
      %get3A_653 = arith.constant 0 : index
      %get3A_654 = arith.constant 0 : index
      %get3A_655 = vector.load %arg32[%get3A_653, %get3A_654] : memref<288x128xf32, #tpu.memory_space<vmem>>, vector<288x128xf32>
      %concatenate3A_656 = tpu.concatenate %reshape3A_645, %reshape3A_645, %reshape3A_645 in 0 : vector<96x128xf32>, vector<96x128xf32>, vector<96x128xf32> -> vector<288x128xf32>
      %mul3A_657 = arith.mulf %get3A_655, %concatenate3A_656 : vector<288x128xf32>
      %swap3A_658 = arith.constant 0 : index
      %swap3A_659 = arith.constant 0 : index
      %swap3A_660 = vector.load %arg32[%swap3A_658, %swap3A_659] : memref<288x128xf32, #tpu.memory_space<vmem>>, vector<288x128xf32>
      tpu.vector_store %arg32[%swap3A_658, %swap3A_659], %mul3A_657 {strides = array<i32>} : memref<288x128xf32, #tpu.memory_space<vmem>>, vector<288x128xf32>,
      %broadcast_in_dim3A_661 = vector.shape_cast %slice3A_637 : vector<12x128xf32> to vector<12x1x128xf32>
      %broadcast_in_dim3A_662 = vector.shape_cast %broadcast_in_dim3A_661 : vector<12x1x128xf32> to vector<12x1x128xf32>
      %broadcast_in_dim3A_663 = vector.broadcast %broadcast_in_dim3A_662 : vector<12x1x128xf32> to vector<12x4x128xf32>
      %reshape3A_664 = vector.shape_cast %broadcast_in_dim3A_663 : vector<12x4x128xf32> to vector<48x128xf32>
      %get3A_665 = arith.constant 0 : index
      %get3A_666 = arith.constant 0 : index
      %get3A_667 = vector.load %arg33[%get3A_665, %get3A_666] : memref<48x128xf32, #tpu.memory_space<vmem>>, vector<48x128xf32>
      %mul3A_668 = arith.mulf %get3A_667, %reshape3A_664 : vector<48x128xf32>
      %swap3A_669 = arith.constant 0 : index
      %swap3A_670 = arith.constant 0 : index
      %swap3A_671 = vector.load %arg33[%swap3A_669, %swap3A_670] : memref<48x128xf32, #tpu.memory_space<vmem>>, vector<48x128xf32>
      tpu.vector_store %arg33[%swap3A_669, %swap3A_670], %mul3A_668 {strides = array<i32>} : memref<48x128xf32, #tpu.memory_space<vmem>>, vector<48x128xf32>,
      %dot_general3A_672 = arith.constant dense<0.000000e+00> : vector<512x16xf32>
      %dot_general3A_673 = tpu.matmul %convert_element_type3A_347, %max3A, %dot_general3A_672 {dimension_numbers = #tpu.dot_dimension_numbers<[1], [1], [0], [0], [0, 0, 1, 0], [], []>, precision = #tpu.contract_precision<fp32>, transpose_lhs_hint = false} : vector<512x128xf32>, vector<16x128xf32>, vector<512x16xf32> -> vector<512x16xf32>
      %slice3A_674 = vector.extract_strided_slice %dot_general3A_673 {offsets = [0, 0], sizes = [512, 12], strides = [1, 1]} : vector<512x16xf32> to vector<512x12xf32>
      %sub3A_675 = arith.subf %select_n3A_511, %slice3A_674 : vector<512x12xf32>
      %exp3A_676 = math.exp %sub3A_675 : vector<512x12xf32>
      %reshape3A_677 = vector.shape_cast %add3A_370 : vector<512x192xf32> to vector<512x12x16xf32>
      %broadcast_in_dim3A_678 = vector.shape_cast %exp3A_676 : vector<512x12xf32> to vector<512x12x1xf32>
      %mul3A_679 = vector.broadcast %broadcast_in_dim3A_678 : vector<512x12x1xf32> to vector<512x12x16xf32>
      %mul3A_680 = arith.mulf %reshape3A_677, %mul3A_679 : vector<512x12x16xf32>
      %reshape3A_681 = vector.shape_cast %mul3A_680 : vector<512x12x16xf32> to vector<512x192xf32>
      %broadcast_in_dim3A_682 = vector.shape_cast %exp3A_676 : vector<512x12xf32> to vector<512x12x1xf32>
      %broadcast_in_dim3A_683 = vector.shape_cast %broadcast_in_dim3A_682 : vector<512x12x1xf32> to vector<512x12x1xf32>
      %broadcast_in_dim3A_684 = vector.broadcast %broadcast_in_dim3A_683 : vector<512x12x1xf32> to vector<512x12x8xf32>
      %reshape3A_685 = vector.shape_cast %broadcast_in_dim3A_684 : vector<512x12x8xf32> to vector<512x96xf32>
      %concatenate3A_686 = tpu.concatenate %reshape3A_685, %reshape3A_685, %reshape3A_685 in 1 : vector<512x96xf32>, vector<512x96xf32>, vector<512x96xf32> -> vector<512x288xf32>
      %mul3A_687 = arith.mulf %concatenate3A_463, %concatenate3A_686 : vector<512x288xf32>
      %get3A_688 = arith.constant 0 : index
      %get3A_689 = arith.constant 0 : index
      %get3A_690 = vector.load %arg27[%get3A_688, %get3A_689] : memref<512x128xf32, #tpu.memory_space<vmem>>, vector<512x16xf32>
      %get3A_691 = arith.constant 0 : index
      %get3A_692 = arith.constant 0 : index
      %get3A_693 = vector.load %arg17[%get3A_691, %get3A_692] : memref<4x16xf32, #tpu.memory_space<vmem>>, vector<4x16xf32>
      %dot_general3A_694 = arith.constant dense<0.000000e+00> : vector<512x4xf32>
      %dot_general3A_695 = tpu.matmul %get3A_690, %get3A_693, %dot_general3A_694 {dimension_numbers = #tpu.dot_dimension_numbers<[1], [1], [0], [0], [0, 0, 1, 0], [], []>, transpose_lhs_hint = false} : vector<512x16xf32>, vector<4x16xf32>, vector<512x4xf32> -> vector<512x4xf32>
      %get3A_696 = arith.constant 0 : index
      %get3A_697 = arith.constant 0 : index
      %get3A_698 = vector.load %arg18[%get3A_696, %get3A_697] : memref<1x4xf32, #tpu.memory_space<vmem>>, vector<1x4xf32>
      %add3A_699 = vector.broadcast %get3A_698 : vector<1x4xf32> to vector<512x4xf32>
      %add3A_700 = arith.addf %dot_general3A_695, %add3A_699 : vector<512x4xf32>
      %broadcast_in_dim3A_701 = vector.shape_cast %exp3A_676 : vector<512x12xf32> to vector<512x12x1xf32>
      %broadcast_in_dim3A_702 = vector.shape_cast %add3A_700 : vector<512x4xf32> to vector<512x1x4xf32>
      %mul3A_703 = vector.broadcast %broadcast_in_dim3A_701 : vector<512x12x1xf32> to vector<512x12x4xf32>
      %mul3A_704 = vector.broadcast %broadcast_in_dim3A_702 : vector<512x1x4xf32> to vector<512x12x4xf32>
      %mul3A_705 = arith.mulf %mul3A_703, %mul3A_704 : vector<512x12x4xf32>
      %reshape3A_706 = vector.shape_cast %mul3A_705 : vector<512x12x4xf32> to vector<512x48xf32>
      %broadcast_in_dim3A_707 = arith.constant 0.000000e+00 : f32
      %broadcast_in_dim3A_708 = vector.broadcast %broadcast_in_dim3A_707 : f32 to vector<512x4xf32>
      %concatenate3A_709 = tpu.concatenate %exp3A_676, %broadcast_in_dim3A_708, %reshape3A_681, %mul3A_687, %reshape3A_706 in 1 : vector<512x12xf32>, vector<512x4xf32>, vector<512x192xf32>, vector<512x288xf32>, vector<512x48xf32> -> vector<512x544xf32>
      %dot_general3A_710 = arith.constant dense<0.000000e+00> : vector<544x128xf32>
      %dot_general3A_711 = tpu.matmul %concatenate3A_709, %convert_element_type3A_347, %dot_general3A_710 {dimension_numbers = #tpu.dot_dimension_numbers<[0], [0], [1], [1], [0, 1, 1, 1], [], []>, precision = #tpu.contract_precision<fp32>, transpose_lhs_hint = false} : vector<512x544xf32>, vector<512x128xf32>, vector<544x128xf32> -> vector<544x128xf32>
      %get3A_712 = arith.constant 0 : index
      %get3A_713 = arith.constant 0 : index
      %get3A_714 = vector.load %arg30[%get3A_712, %get3A_713] : memref<16x128xf32, #tpu.memory_space<vmem>>, vector<16x128xf32>
      %slice3A_715 = vector.extract_strided_slice %dot_general3A_711 {offsets = [0, 0], sizes = [16, 128], strides = [1, 1]} : vector<544x128xf32> to vector<16x128xf32>
      %add3A_716 = arith.addf %get3A_714, %slice3A_715 : vector<16x128xf32>
      %swap3A_717 = arith.constant 0 : index
      %swap3A_718 = arith.constant 0 : index
      %swap3A_719 = vector.load %arg30[%swap3A_717, %swap3A_718] : memref<16x128xf32, #tpu.memory_space<vmem>>, vector<16x128xf32>
      tpu.vector_store %arg30[%swap3A_717, %swap3A_718], %add3A_716 {strides = array<i32>} : memref<16x128xf32, #tpu.memory_space<vmem>>, vector<16x128xf32>,
      %get3A_720 = arith.constant 0 : index
      %get3A_721 = arith.constant 0 : index
      %get3A_722 = vector.load %arg31[%get3A_720, %get3A_721] : memref<192x128xf32, #tpu.memory_space<vmem>>, vector<192x128xf32>
      %slice3A_723 = vector.extract_strided_slice %dot_general3A_711 {offsets = [16, 0], sizes = [192, 128], strides = [1, 1]} : vector<544x128xf32> to vector<192x128xf32>
      %add3A_724 = arith.addf %get3A_722, %slice3A_723 : vector<192x128xf32>
      %swap3A_725 = arith.constant 0 : index
      %swap3A_726 = arith.constant 0 : index
      %swap3A_727 = vector.load %arg31[%swap3A_725, %swap3A_726] : memref<192x128xf32, #tpu.memory_space<vmem>>, vector<192x128xf32>
      tpu.vector_store %arg31[%swap3A_725, %swap3A_726], %add3A_724 {strides = array<i32>} : memref<192x128xf32, #tpu.memory_space<vmem>>, vector<192x128xf32>,
      %get3A_728 = arith.constant 0 : index
      %get3A_729 = arith.constant 0 : index
      %get3A_730 = vector.load %arg32[%get3A_728, %get3A_729] : memref<288x128xf32, #tpu.memory_space<vmem>>, vector<288x128xf32>
      %slice3A_731 = vector.extract_strided_slice %dot_general3A_711 {offsets = [208, 0], sizes = [288, 128], strides = [1, 1]} : vector<544x128xf32> to vector<288x128xf32>
      %add3A_732 = arith.addf %get3A_730, %slice3A_731 : vector<288x128xf32>
      %swap3A_733 = arith.constant 0 : index
      %swap3A_734 = arith.constant 0 : index
      %swap3A_735 = vector.load %arg32[%swap3A_733, %swap3A_734] : memref<288x128xf32, #tpu.memory_space<vmem>>, vector<288x128xf32>
      tpu.vector_store %arg32[%swap3A_733, %swap3A_734], %add3A_732 {strides = array<i32>} : memref<288x128xf32, #tpu.memory_space<vmem>>, vector<288x128xf32>,
      %get3A_736 = arith.constant 0 : index
      %get3A_737 = arith.constant 0 : index
      %get3A_738 = vector.load %arg33[%get3A_736, %get3A_737] : memref<48x128xf32, #tpu.memory_space<vmem>>, vector<48x128xf32>
      %slice3A_739 = vector.extract_strided_slice %dot_general3A_711 {offsets = [496, 0], sizes = [48, 128], strides = [1, 1]} : vector<544x128xf32> to vector<48x128xf32>
      %add3A_740 = arith.addf %get3A_738, %slice3A_739 : vector<48x128xf32>
      %swap3A_741 = arith.constant 0 : index
      %swap3A_742 = arith.constant 0 : index
      %swap3A_743 = vector.load %arg33[%swap3A_741, %swap3A_742] : memref<48x128xf32, #tpu.memory_space<vmem>>, vector<48x128xf32>
      tpu.vector_store %arg33[%swap3A_741, %swap3A_742], %add3A_740 {strides = array<i32>} : memref<48x128xf32, #tpu.memory_space<vmem>>, vector<48x128xf32>,
      %while3A_744 = arith.constant 0 : i32
      scf.yield %while3A_744 : i32
    }
    %while3A_183 = arith.constant 1 : i32
    %while3A_184 = scf.for %while3A_318 = %while3A_180 to %while3A_176 step %while3A_183 iter_args(%while3A_319 = %while3A_182) -> (i32)  : i32 {
      %mul3A_320 = arith.constant 512 : i32
      %mul3A_321 = arith.muli %while3A_318, %mul3A_320 : i32
      %add3A_322 = arith.addi %mul3A_144, %mul3A_321 : i32
      %dma_start3A = arith.constant 0 : i32
      %dma_start3A_323 = tpu.memref_slice %arg22[%add3A_322, %dma_start3A] : memref<320512x256xf32, #tpu.memory_space<any>> -> memref<512x256xf32, #tpu.memory_space<any>>
      tpu.enqueue_dma source(%dma_start3A_323 : memref<512x256xf32, #tpu.memory_space<any>>) target(%arg26 : memref<512x256xf32, #tpu.memory_space<vmem>>) target_semaphore(%arg34 : memref<!tpu.dma_semaphore, #tpu.memory_space<semaphore_mem>>)
      %dma_start3A_324 = arith.constant 0 : i32
      %dma_start3A_325 = tpu.memref_slice %arg23[%add3A_322, %dma_start3A_324] : memref<320512x128xf32, #tpu.memory_space<any>> -> memref<512x128xf32, #tpu.memory_space<any>>
      tpu.enqueue_dma source(%dma_start3A_325 : memref<512x128xf32, #tpu.memory_space<any>>) target(%arg27 : memref<512x128xf32, #tpu.memory_space<vmem>>) target_semaphore(%arg35 : memref<!tpu.dma_semaphore, #tpu.memory_space<semaphore_mem>>)
      %dma_start3A_326 = arith.constant 0 : i32
      %dma_start3A_327 = tpu.memref_slice %arg24[%add3A_322, %dma_start3A_326] : memref<320512x1xi32, #tpu.memory_space<any>> -> memref<512x1xi32, #tpu.memory_space<any>>
      tpu.enqueue_dma source(%dma_start3A_327 : memref<512x1xi32, #tpu.memory_space<any>>) target(%arg28 : memref<512x1xi32, #tpu.memory_space<vmem>>) target_semaphore(%arg36 : memref<!tpu.dma_semaphore, #tpu.memory_space<semaphore_mem>>)
      %dma_wait3A = arith.constant 0 : i32
      %dma_wait3A_328 = tpu.memref_slice %arg22[%add3A_322, %dma_wait3A] : memref<320512x256xf32, #tpu.memory_space<any>> -> memref<512x256xf32, #tpu.memory_space<any>>
      tpu.wait_dma2 semaphore(%arg34 : memref<!tpu.dma_semaphore, #tpu.memory_space<semaphore_mem>>) src(%dma_wait3A_328 : memref<512x256xf32, #tpu.memory_space<any>>) dst(%arg26 : memref<512x256xf32, #tpu.memory_space<vmem>>)
      %dma_wait3A_329 = arith.constant 0 : i32
      %dma_wait3A_330 = tpu.memref_slice %arg23[%add3A_322, %dma_wait3A_329] : memref<320512x128xf32, #tpu.memory_space<any>> -> memref<512x128xf32, #tpu.memory_space<any>>
      tpu.wait_dma2 semaphore(%arg35 : memref<!tpu.dma_semaphore, #tpu.memory_space<semaphore_mem>>) src(%dma_wait3A_330 : memref<512x128xf32, #tpu.memory_space<any>>) dst(%arg27 : memref<512x128xf32, #tpu.memory_space<vmem>>)
      %dma_wait3A_331 = arith.constant 0 : i32
      %dma_wait3A_332 = tpu.memref_slice %arg24[%add3A_322, %dma_wait3A_331] : memref<320512x1xi32, #tpu.memory_space<any>> -> memref<512x1xi32, #tpu.memory_space<any>>
      tpu.wait_dma2 semaphore(%arg36 : memref<!tpu.dma_semaphore, #tpu.memory_space<semaphore_mem>>) src(%dma_wait3A_332 : memref<512x1xi32, #tpu.memory_space<any>>) dst(%arg28 : memref<512x1xi32, #tpu.memory_space<vmem>>)
      %get3A_333 = arith.constant 0 : index
      %get3A_334 = arith.constant 0 : index
      %get3A_335 = vector.load %arg28[%get3A_333, %get3A_334] : memref<512x1xi32, #tpu.memory_space<vmem>>, vector<512x1xi32>
      %iota3A = tpu.iota {dimensions = array<i32: 0>} : vector<512x1xi32>
      %add3A_336 = vector.broadcast %add3A_322 : i32 to vector<512x1xi32>
      %add3A_337 = arith.addi %add3A_336, %iota3A : vector<512x1xi32>
      %ge3A = vector.broadcast %get3A_1 : i32 to vector<512x1xi32>
      %ge3A_338 = arith.cmpi sge, %add3A_337, %ge3A : vector<512x1xi32>
      %lt3A = vector.broadcast %get3A_4 : i32 to vector<512x1xi32>
      %lt3A_339 = arith.cmpi slt, %add3A_337, %lt3A : vector<512x1xi32>
      %and3A_340 = arith.andi %ge3A_338, %lt3A_339 : vector<512x1xi1>
      %sub3A_341 = vector.broadcast %mul3A_0 : i32 to vector<512x1xi32>
      %sub3A_342 = arith.subi %get3A_335, %sub3A_341 : vector<512x1xi32>
      %iota3A_343 = tpu.iota {dimensions = array<i32: 1>} : vector<512x128xi32>
      %eq3A = vector.broadcast %sub3A_342 : vector<512x1xi32> to vector<512x128xi32>
      %eq3A_344 = arith.cmpi eq, %eq3A, %iota3A_343 : vector<512x128xi32>
      %and3A_345 = vector.broadcast %and3A_340 : vector<512x1xi1> to vector<512x128xi1>
      %and3A_346 = arith.andi %eq3A_344, %and3A_345 : vector<512x128xi1>
      %convert_element_type3A = arith.extui %and3A_346 : vector<512x128xi1> to vector<512x128xi32>
      %convert_element_type3A_347 = arith.sitofp %convert_element_type3A : vector<512x128xi32> to vector<512x128xf32>
      %get3A_348 = arith.constant 0 : index
      %get3A_349 = arith.constant 0 : index
      %get3A_350 = vector.load %arg26[%get3A_348, %get3A_349] : memref<512x256xf32, #tpu.memory_space<vmem>>, vector<512x128xf32>
      %get3A_351 = arith.constant 0 : index
      %get3A_352 = arith.constant 0 : index
      %get3A_353 = vector.load %arg9[%get3A_351, %get3A_352] : memref<192x128xf32, #tpu.memory_space<vmem>>, vector<192x128xf32>
      %dot_general3A_354 = arith.constant dense<0.000000e+00> : vector<512x192xf32>
      %dot_general3A_355 = tpu.matmul %get3A_350, %get3A_353, %dot_general3A_354 {dimension_numbers = #tpu.dot_dimension_numbers<[1], [1], [0], [0], [0, 0, 1, 0], [], []>, transpose_lhs_hint = false} : vector<512x128xf32>, vector<192x128xf32>, vector<512x192xf32> -> vector<512x192xf32>
      %get3A_356 = arith.constant 0 : index
      %get3A_357 = arith.constant 0 : index
      %get3A_358 = vector.load %arg10[%get3A_356, %get3A_357] : memref<1x192xf32, #tpu.memory_space<vmem>>, vector<1x192xf32>
      %add3A_359 = vector.broadcast %get3A_358 : vector<1x192xf32> to vector<512x192xf32>
      %add3A_360 = arith.addf %dot_general3A_355, %add3A_359 : vector<512x192xf32>
      %get3A_361 = arith.constant 0 : index
      %get3A_362 = arith.constant 0 : index
      %get3A_363 = vector.load %arg11[%get3A_361, %get3A_362] : memref<192x128xf32, #tpu.memory_space<vmem>>, vector<192x128xf32>
      %dot_general3A_364 = arith.constant dense<0.000000e+00> : vector<512x192xf32>
      %dot_general3A_365 = tpu.matmul %get3A_350, %get3A_363, %dot_general3A_364 {dimension_numbers = #tpu.dot_dimension_numbers<[1], [1], [0], [0], [0, 0, 1, 0], [], []>, transpose_lhs_hint = false} : vector<512x128xf32>, vector<192x128xf32>, vector<512x192xf32> -> vector<512x192xf32>
      %get3A_366 = arith.constant 0 : index
      %get3A_367 = arith.constant 0 : index
      %get3A_368 = vector.load %arg12[%get3A_366, %get3A_367] : memref<1x192xf32, #tpu.memory_space<vmem>>, vector<1x192xf32>
      %add3A_369 = vector.broadcast %get3A_368 : vector<1x192xf32> to vector<512x192xf32>
      %add3A_370 = arith.addf %dot_general3A_365, %add3A_369 : vector<512x192xf32>
      %get3A_371 = arith.constant 0 : index
      %get3A_372 = arith.constant 0 : index
      %get3A_373 = vector.load %arg13[%get3A_371, %get3A_372] : memref<432x128xf32, #tpu.memory_space<vmem>>, vector<432x128xf32>
      %dot_general3A_374 = arith.constant dense<0.000000e+00> : vector<512x432xf32>
      %dot_general3A_375 = tpu.matmul %get3A_350, %get3A_373, %dot_general3A_374 {dimension_numbers = #tpu.dot_dimension_numbers<[1], [1], [0], [0], [0, 0, 1, 0], [], []>, transpose_lhs_hint = false} : vector<512x128xf32>, vector<432x128xf32>, vector<512x432xf32> -> vector<512x432xf32>
      %get3A_376 = arith.constant 0 : index
      %get3A_377 = arith.constant 0 : index
      %get3A_378 = vector.load %arg14[%get3A_376, %get3A_377] : memref<1x432xf32, #tpu.memory_space<vmem>>, vector<1x432xf32>
      %add3A_379 = vector.broadcast %get3A_378 : vector<1x432xf32> to vector<512x432xf32>
      %add3A_380 = arith.addf %dot_general3A_375, %add3A_379 : vector<512x432xf32>
      %get3A_381 = arith.constant 0 : index
      %get3A_382 = arith.constant 137 : index
      %get3A_383 = vector.load %arg26[%get3A_381, %get3A_382] : memref<512x256xf32, #tpu.memory_space<vmem>>, vector<512x1xf32>
      %get3A_384 = arith.constant 0 : index
      %get3A_385 = arith.constant 128 : index
      %get3A_386 = vector.load %arg26[%get3A_384, %get3A_385] : memref<512x256xf32, #tpu.memory_space<vmem>>, vector<512x1xf32>
      %slice3A_387 = vector.extract_strided_slice %add3A_380 {offsets = [0, 0], sizes = [512, 144], strides = [1, 1]} : vector<512x432xf32> to vector<512x144xf32>
      %mul3A_388 = vector.broadcast %get3A_386 : vector<512x1xf32> to vector<512x144xf32>
      %mul3A_389 = arith.mulf %mul3A_388, %slice3A_387 : vector<512x144xf32>
      %add3A_390 = vector.broadcast %get3A_383 : vector<512x1xf32> to vector<512x144xf32>
      %add3A_391 = arith.addf %add3A_390, %mul3A_389 : vector<512x144xf32>
      %get3A_392 = arith.constant 0 : index
      %get3A_393 = arith.constant 129 : index
      %get3A_394 = vector.load %arg26[%get3A_392, %get3A_393] : memref<512x256xf32, #tpu.memory_space<vmem>>, vector<512x1xf32>
      %slice3A_395 = vector.extract_strided_slice %add3A_380 {offsets = [0, 144], sizes = [512, 144], strides = [1, 1]} : vector<512x432xf32> to vector<512x144xf32>
      %mul3A_396 = vector.broadcast %get3A_394 : vector<512x1xf32> to vector<512x144xf32>
      %mul3A_397 = arith.mulf %mul3A_396, %slice3A_395 : vector<512x144xf32>
      %add3A_398 = arith.addf %add3A_391, %mul3A_397 : vector<512x144xf32>
      %get3A_399 = arith.constant 0 : index
      %get3A_400 = arith.constant 130 : index
      %get3A_401 = vector.load %arg26[%get3A_399, %get3A_400] : memref<512x256xf32, #tpu.memory_space<vmem>>, vector<512x1xf32>
      %slice3A_402 = vector.extract_strided_slice %add3A_380 {offsets = [0, 288], sizes = [512, 144], strides = [1, 1]} : vector<512x432xf32> to vector<512x144xf32>
      %mul3A_403 = vector.broadcast %get3A_401 : vector<512x1xf32> to vector<512x144xf32>
      %mul3A_404 = arith.mulf %mul3A_403, %slice3A_402 : vector<512x144xf32>
      %add3A_405 = arith.addf %add3A_398, %mul3A_404 : vector<512x144xf32>
      %slice3A_406 = vector.extract_strided_slice %add3A_405 {offsets = [0, 0], sizes = [512, 48], strides = [1, 1]} : vector<512x144xf32> to vector<512x48xf32>
      %slice3A_407 = vector.extract_strided_slice %add3A_405 {offsets = [0, 48], sizes = [512, 96], strides = [1, 1]} : vector<512x144xf32> to vector<512x96xf32>
      %get3A_408 = arith.constant 0 : index
      %get3A_409 = arith.constant 138 : index
      %get3A_410 = vector.load %arg26[%get3A_408, %get3A_409] : memref<512x256xf32, #tpu.memory_space<vmem>>, vector<512x1xf32>
      %get3A_411 = arith.constant 0 : index
      %get3A_412 = arith.constant 131 : index
      %get3A_413 = vector.load %arg26[%get3A_411, %get3A_412] : memref<512x256xf32, #tpu.memory_space<vmem>>, vector<512x1xf32>
      %slice3A_414 = vector.extract_strided_slice %add3A_380 {offsets = [0, 0], sizes = [512, 144], strides = [1, 1]} : vector<512x432xf32> to vector<512x144xf32>
      %mul3A_415 = vector.broadcast %get3A_413 : vector<512x1xf32> to vector<512x144xf32>
      %mul3A_416 = arith.mulf %mul3A_415, %slice3A_414 : vector<512x144xf32>
      %add3A_417 = vector.broadcast %get3A_410 : vector<512x1xf32> to vector<512x144xf32>
      %add3A_418 = arith.addf %add3A_417, %mul3A_416 : vector<512x144xf32>
      %get3A_419 = arith.constant 0 : index
      %get3A_420 = arith.constant 132 : index
      %get3A_421 = vector.load %arg26[%get3A_419, %get3A_420] : memref<512x256xf32, #tpu.memory_space<vmem>>, vector<512x1xf32>
      %slice3A_422 = vector.extract_strided_slice %add3A_380 {offsets = [0, 144], sizes = [512, 144], strides = [1, 1]} : vector<512x432xf32> to vector<512x144xf32>
      %mul3A_423 = vector.broadcast %get3A_421 : vector<512x1xf32> to vector<512x144xf32>
      %mul3A_424 = arith.mulf %mul3A_423, %slice3A_422 : vector<512x144xf32>
      %add3A_425 = arith.addf %add3A_418, %mul3A_424 : vector<512x144xf32>
      %get3A_426 = arith.constant 0 : index
      %get3A_427 = arith.constant 133 : index
      %get3A_428 = vector.load %arg26[%get3A_426, %get3A_427] : memref<512x256xf32, #tpu.memory_space<vmem>>, vector<512x1xf32>
      %slice3A_429 = vector.extract_strided_slice %add3A_380 {offsets = [0, 288], sizes = [512, 144], strides = [1, 1]} : vector<512x432xf32> to vector<512x144xf32>
      %mul3A_430 = vector.broadcast %get3A_428 : vector<512x1xf32> to vector<512x144xf32>
      %mul3A_431 = arith.mulf %mul3A_430, %slice3A_429 : vector<512x144xf32>
      %add3A_432 = arith.addf %add3A_425, %mul3A_431 : vector<512x144xf32>
      %slice3A_433 = vector.extract_strided_slice %add3A_432 {offsets = [0, 0], sizes = [512, 48], strides = [1, 1]} : vector<512x144xf32> to vector<512x48xf32>
      %slice3A_434 = vector.extract_strided_slice %add3A_432 {offsets = [0, 48], sizes = [512, 96], strides = [1, 1]} : vector<512x144xf32> to vector<512x96xf32>
      %get3A_435 = arith.constant 0 : index
      %get3A_436 = arith.constant 139 : index
      %get3A_437 = vector.load %arg26[%get3A_435, %get3A_436] : memref<512x256xf32, #tpu.memory_space<vmem>>, vector<512x1xf32>
      %get3A_438 = arith.constant 0 : index
      %get3A_439 = arith.constant 134 : index
      %get3A_440 = vector.load %arg26[%get3A_438, %get3A_439] : memref<512x256xf32, #tpu.memory_space<vmem>>, vector<512x1xf32>
      %slice3A_441 = vector.extract_strided_slice %add3A_380 {offsets = [0, 0], sizes = [512, 144], strides = [1, 1]} : vector<512x432xf32> to vector<512x144xf32>
      %mul3A_442 = vector.broadcast %get3A_440 : vector<512x1xf32> to vector<512x144xf32>
      %mul3A_443 = arith.mulf %mul3A_442, %slice3A_441 : vector<512x144xf32>
      %add3A_444 = vector.broadcast %get3A_437 : vector<512x1xf32> to vector<512x144xf32>
      %add3A_445 = arith.addf %add3A_444, %mul3A_443 : vector<512x144xf32>
      %get3A_446 = arith.constant 0 : index
      %get3A_447 = arith.constant 135 : index
      %get3A_448 = vector.load %arg26[%get3A_446, %get3A_447] : memref<512x256xf32, #tpu.memory_space<vmem>>, vector<512x1xf32>
      %slice3A_449 = vector.extract_strided_slice %add3A_380 {offsets = [0, 144], sizes = [512, 144], strides = [1, 1]} : vector<512x432xf32> to vector<512x144xf32>
      %mul3A_450 = vector.broadcast %get3A_448 : vector<512x1xf32> to vector<512x144xf32>
      %mul3A_451 = arith.mulf %mul3A_450, %slice3A_449 : vector<512x144xf32>
      %add3A_452 = arith.addf %add3A_445, %mul3A_451 : vector<512x144xf32>
      %get3A_453 = arith.constant 0 : index
      %get3A_454 = arith.constant 136 : index
      %get3A_455 = vector.load %arg26[%get3A_453, %get3A_454] : memref<512x256xf32, #tpu.memory_space<vmem>>, vector<512x1xf32>
      %slice3A_456 = vector.extract_strided_slice %add3A_380 {offsets = [0, 288], sizes = [512, 144], strides = [1, 1]} : vector<512x432xf32> to vector<512x144xf32>
      %mul3A_457 = vector.broadcast %get3A_455 : vector<512x1xf32> to vector<512x144xf32>
      %mul3A_458 = arith.mulf %mul3A_457, %slice3A_456 : vector<512x144xf32>
      %add3A_459 = arith.addf %add3A_452, %mul3A_458 : vector<512x144xf32>
      %slice3A_460 = vector.extract_strided_slice %add3A_459 {offsets = [0, 0], sizes = [512, 48], strides = [1, 1]} : vector<512x144xf32> to vector<512x48xf32>
      %slice3A_461 = vector.extract_strided_slice %add3A_459 {offsets = [0, 48], sizes = [512, 96], strides = [1, 1]} : vector<512x144xf32> to vector<512x96xf32>
      %concatenate3A_462 = tpu.concatenate %slice3A_406, %slice3A_433, %slice3A_460 in 1 : vector<512x48xf32>, vector<512x48xf32>, vector<512x48xf32> -> vector<512x144xf32>
      %concatenate3A_463 = tpu.concatenate %slice3A_407, %slice3A_434, %slice3A_461 in 1 : vector<512x96xf32>, vector<512x96xf32>, vector<512x96xf32> -> vector<512x288xf32>
      %dot_general3A_464 = arith.constant dense<0.000000e+00> : vector<512x336xf32>
      %dot_general3A_465 = tpu.matmul %convert_element_type3A_347, %concatenate3A, %dot_general3A_464 {dimension_numbers = #tpu.dot_dimension_numbers<[1], [0], [0], [1], [0, 0, 1, 1], [], []>, precision = #tpu.contract_precision<fp32>, transpose_lhs_hint = false} : vector<512x128xf32>, vector<128x336xf32>, vector<512x336xf32> -> vector<512x336xf32>
      %slice3A_466 = vector.extract_strided_slice %dot_general3A_465 {offsets = [0, 0], sizes = [512, 192], strides = [1, 1]} : vector<512x336xf32> to vector<512x192xf32>
      %mul3A_467 = arith.mulf %slice3A_466, %add3A_360 : vector<512x192xf32>
      %reshape3A_468 = vector.shape_cast %mul3A_467 : vector<512x192xf32> to vector<512x12x16xf32>
      %reduce_sum3A = arith.constant dense<0.000000e+00> : vector<512x12xf32>
      %reduce_sum3A_469 = vector.multi_reduction <add>, %reshape3A_468, %reduce_sum3A [2] : vector<512x12x16xf32> to vector<512x12xf32>
      %slice3A_470 = vector.extract_strided_slice %dot_general3A_465 {offsets = [0, 192], sizes = [512, 144], strides = [1, 1]} : vector<512x336xf32> to vector<512x144xf32>
      %sub3A_471 = arith.subf %slice3A_470, %concatenate3A_462 : vector<512x144xf32>
      %mul3A_472 = arith.mulf %sub3A_471, %sub3A_471 : vector<512x144xf32>
      %slice3A_473 = vector.extract_strided_slice %mul3A_472 {offsets = [0, 0], sizes = [512, 48], strides = [1, 1]} : vector<512x144xf32> to vector<512x48xf32>
      %slice3A_474 = vector.extract_strided_slice %mul3A_472 {offsets = [0, 48], sizes = [512, 48], strides = [1, 1]} : vector<512x144xf32> to vector<512x48xf32>
      %add3A_475 = arith.addf %slice3A_473, %slice3A_474 : vector<512x48xf32>
      %slice3A_476 = vector.extract_strided_slice %mul3A_472 {offsets = [0, 96], sizes = [512, 48], strides = [1, 1]} : vector<512x144xf32> to vector<512x48xf32>
      %add3A_477 = arith.addf %add3A_475, %slice3A_476 : vector<512x48xf32>
      %reshape3A_478 = vector.shape_cast %add3A_477 : vector<512x48xf32> to vector<512x12x4xf32>
      %reduce_sum3A_479 = arith.constant dense<0.000000e+00> : vector<512x12xf32>
      %reduce_sum3A_480 = vector.multi_reduction <add>, %reshape3A_478, %reduce_sum3A_479 [2] : vector<512x12x4xf32> to vector<512x12xf32>
      %get3A_481 = arith.constant 0 : index
      %get3A_482 = arith.constant 0 : index
      %get3A_483 = vector.load %arg27[%get3A_481, %get3A_482] : memref<512x128xf32, #tpu.memory_space<vmem>>, vector<512x16xf32>
      %get3A_484 = arith.constant 0 : index
      %get3A_485 = arith.constant 0 : index
      %get3A_486 = vector.load %arg15[%get3A_484, %get3A_485] : memref<12x16xf32, #tpu.memory_space<vmem>>, vector<12x16xf32>
      %dot_general3A_487 = arith.constant dense<0.000000e+00> : vector<512x12xf32>
      %dot_general3A_488 = tpu.matmul %get3A_483, %get3A_486, %dot_general3A_487 {dimension_numbers = #tpu.dot_dimension_numbers<[1], [1], [0], [0], [0, 0, 1, 0], [], []>, transpose_lhs_hint = false} : vector<512x16xf32>, vector<12x16xf32>, vector<512x12xf32> -> vector<512x12xf32>
      %get3A_489 = arith.constant 0 : index
      %get3A_490 = arith.constant 0 : index
      %get3A_491 = vector.load %arg16[%get3A_489, %get3A_490] : memref<1x12xf32, #tpu.memory_space<vmem>>, vector<1x12xf32>
      %add3A_492 = vector.broadcast %get3A_491 : vector<1x12xf32> to vector<512x12xf32>
      %add3A_493 = arith.addf %dot_general3A_488, %add3A_492 : vector<512x12xf32>
      %mul3A_494 = arith.constant 0.144337565 : f32
      %mul3A_495 = vector.broadcast %mul3A_494 : f32 to vector<512x12xf32>
      %mul3A_496 = arith.mulf %reduce_sum3A_469, %mul3A_495 : vector<512x12xf32>
      %mul3A_497 = arith.constant 0.577350259 : f32
      %mul3A_498 = vector.broadcast %mul3A_497 : f32 to vector<512x12xf32>
      %mul3A_499 = arith.mulf %add3A_493, %mul3A_498 : vector<512x12xf32>
      %add3A_500 = arith.addf %mul3A_496, %mul3A_499 : vector<512x12xf32>
      %mul3A_501 = arith.constant 0.0680413842 : f32
      %mul3A_502 = vector.broadcast %mul3A_501 : f32 to vector<1x12xf32>
      %mul3A_503 = arith.mulf %mul3A_502, %log1p3A : vector<1x12xf32>
      %mul3A_504 = vector.broadcast %mul3A_503 : vector<1x12xf32> to vector<512x12xf32>
      %mul3A_505 = arith.mulf %mul3A_504, %reduce_sum3A_480 : vector<512x12xf32>
      %sub3A_506 = arith.subf %add3A_500, %mul3A_505 : vector<512x12xf32>
      %jit3A_507 = arith.constant -1.000000e+30 : f32
      %broadcast_in_dim3A_508 = vector.shape_cast %and3A_340 : vector<512x1xi1> to vector<512x1xi1>
      %broadcast_in_dim3A_509 = vector.broadcast %broadcast_in_dim3A_508 : vector<512x1xi1> to vector<512x12xi1>
      %broadcast_in_dim3A_510 = vector.broadcast %jit3A_507 : f32 to vector<512x12xf32>
      %select_n3A_511 = arith.select %broadcast_in_dim3A_509, %sub3A_506, %broadcast_in_dim3A_510 : vector<512x12xi1>, vector<512x12xf32>
      %get3A_512 = arith.constant 0 : index
      %get3A_513 = arith.constant 0 : index
      %get3A_514 = vector.load %arg29[%get3A_512, %get3A_513] : memref<16x128xf32, #tpu.memory_space<vmem>>, vector<16x128xf32>
      %slice3A_515 = vector.extract_strided_slice %select_n3A_511 {offsets = [0, 0], sizes = [512, 1], strides = [1, 1]} : vector<512x12xf32> to vector<512x1xf32>
      %jit3A_516 = arith.constant -1.000000e+30 : f32
      %broadcast_in_dim3A_517 = vector.shape_cast %slice3A_515 : vector<512x1xf32> to vector<512x1xf32>
      %broadcast_in_dim3A_518 = vector.broadcast %broadcast_in_dim3A_517 : vector<512x1xf32> to vector<512x128xf32>
      %broadcast_in_dim3A_519 = vector.broadcast %jit3A_516 : f32 to vector<512x128xf32>
      %select_n3A_520 = arith.select %and3A_346, %broadcast_in_dim3A_518, %broadcast_in_dim3A_519 : vector<512x128xi1>, vector<512x128xf32>
      %reduce_max3A = arith.constant dense<0xFF800000> : vector<128xf32>
      %reduce_max3A_521 = vector.multi_reduction <maximumf>, %select_n3A_520, %reduce_max3A [0] : vector<512x128xf32> to vector<128xf32>
      %broadcast_in_dim3A_522 = vector.shape_cast %reduce_max3A_521 : vector<128xf32> to vector<1x128xf32>
      %slice3A_523 = vector.extract_strided_slice %select_n3A_511 {offsets = [0, 1], sizes = [512, 1], strides = [1, 1]} : vector<512x12xf32> to vector<512x1xf32>
      %jit3A_524 = arith.constant -1.000000e+30 : f32
      %broadcast_in_dim3A_525 = vector.shape_cast %slice3A_523 : vector<512x1xf32> to vector<512x1xf32>
      %broadcast_in_dim3A_526 = vector.broadcast %broadcast_in_dim3A_525 : vector<512x1xf32> to vector<512x128xf32>
      %broadcast_in_dim3A_527 = vector.broadcast %jit3A_524 : f32 to vector<512x128xf32>
      %select_n3A_528 = arith.select %and3A_346, %broadcast_in_dim3A_526, %broadcast_in_dim3A_527 : vector<512x128xi1>, vector<512x128xf32>
      %reduce_max3A_529 = arith.constant dense<0xFF800000> : vector<128xf32>
      %reduce_max3A_530 = vector.multi_reduction <maximumf>, %select_n3A_528, %reduce_max3A_529 [0] : vector<512x128xf32> to vector<128xf32>
      %broadcast_in_dim3A_531 = vector.shape_cast %reduce_max3A_530 : vector<128xf32> to vector<1x128xf32>
      %slice3A_532 = vector.extract_strided_slice %select_n3A_511 {offsets = [0, 2], sizes = [512, 1], strides = [1, 1]} : vector<512x12xf32> to vector<512x1xf32>
      %jit3A_533 = arith.constant -1.000000e+30 : f32
      %broadcast_in_dim3A_534 = vector.shape_cast %slice3A_532 : vector<512x1xf32> to vector<512x1xf32>
      %broadcast_in_dim3A_535 = vector.broadcast %broadcast_in_dim3A_534 : vector<512x1xf32> to vector<512x128xf32>
      %broadcast_in_dim3A_536 = vector.broadcast %jit3A_533 : f32 to vector<512x128xf32>
      %select_n3A_537 = arith.select %and3A_346, %broadcast_in_dim3A_535, %broadcast_in_dim3A_536 : vector<512x128xi1>, vector<512x128xf32>
      %reduce_max3A_538 = arith.constant dense<0xFF800000> : vector<128xf32>
      %reduce_max3A_539 = vector.multi_reduction <maximumf>, %select_n3A_537, %reduce_max3A_538 [0] : vector<512x128xf32> to vector<128xf32>
      %broadcast_in_dim3A_540 = vector.shape_cast %reduce_max3A_539 : vector<128xf32> to vector<1x128xf32>
      %slice3A_541 = vector.extract_strided_slice %select_n3A_511 {offsets = [0, 3], sizes = [512, 1], strides = [1, 1]} : vector<512x12xf32> to vector<512x1xf32>
      %jit3A_542 = arith.constant -1.000000e+30 : f32
      %broadcast_in_dim3A_543 = vector.shape_cast %slice3A_541 : vector<512x1xf32> to vector<512x1xf32>
      %broadcast_in_dim3A_544 = vector.broadcast %broadcast_in_dim3A_543 : vector<512x1xf32> to vector<512x128xf32>
      %broadcast_in_dim3A_545 = vector.broadcast %jit3A_542 : f32 to vector<512x128xf32>
      %select_n3A_546 = arith.select %and3A_346, %broadcast_in_dim3A_544, %broadcast_in_dim3A_545 : vector<512x128xi1>, vector<512x128xf32>
      %reduce_max3A_547 = arith.constant dense<0xFF800000> : vector<128xf32>
      %reduce_max3A_548 = vector.multi_reduction <maximumf>, %select_n3A_546, %reduce_max3A_547 [0] : vector<512x128xf32> to vector<128xf32>
      %broadcast_in_dim3A_549 = vector.shape_cast %reduce_max3A_548 : vector<128xf32> to vector<1x128xf32>
      %slice3A_550 = vector.extract_strided_slice %select_n3A_511 {offsets = [0, 4], sizes = [512, 1], strides = [1, 1]} : vector<512x12xf32> to vector<512x1xf32>
      %jit3A_551 = arith.constant -1.000000e+30 : f32
      %broadcast_in_dim3A_552 = vector.shape_cast %slice3A_550 : vector<512x1xf32> to vector<512x1xf32>
      %broadcast_in_dim3A_553 = vector.broadcast %broadcast_in_dim3A_552 : vector<512x1xf32> to vector<512x128xf32>
      %broadcast_in_dim3A_554 = vector.broadcast %jit3A_551 : f32 to vector<512x128xf32>
      %select_n3A_555 = arith.select %and3A_346, %broadcast_in_dim3A_553, %broadcast_in_dim3A_554 : vector<512x128xi1>, vector<512x128xf32>
      %reduce_max3A_556 = arith.constant dense<0xFF800000> : vector<128xf32>
      %reduce_max3A_557 = vector.multi_reduction <maximumf>, %select_n3A_555, %reduce_max3A_556 [0] : vector<512x128xf32> to vector<128xf32>
      %broadcast_in_dim3A_558 = vector.shape_cast %reduce_max3A_557 : vector<128xf32> to vector<1x128xf32>
      %slice3A_559 = vector.extract_strided_slice %select_n3A_511 {offsets = [0, 5], sizes = [512, 1], strides = [1, 1]} : vector<512x12xf32> to vector<512x1xf32>
      %jit3A_560 = arith.constant -1.000000e+30 : f32
      %broadcast_in_dim3A_561 = vector.shape_cast %slice3A_559 : vector<512x1xf32> to vector<512x1xf32>
      %broadcast_in_dim3A_562 = vector.broadcast %broadcast_in_dim3A_561 : vector<512x1xf32> to vector<512x128xf32>
      %broadcast_in_dim3A_563 = vector.broadcast %jit3A_560 : f32 to vector<512x128xf32>
      %select_n3A_564 = arith.select %and3A_346, %broadcast_in_dim3A_562, %broadcast_in_dim3A_563 : vector<512x128xi1>, vector<512x128xf32>
      %reduce_max3A_565 = arith.constant dense<0xFF800000> : vector<128xf32>
      %reduce_max3A_566 = vector.multi_reduction <maximumf>, %select_n3A_564, %reduce_max3A_565 [0] : vector<512x128xf32> to vector<128xf32>
      %broadcast_in_dim3A_567 = vector.shape_cast %reduce_max3A_566 : vector<128xf32> to vector<1x128xf32>
      %slice3A_568 = vector.extract_strided_slice %select_n3A_511 {offsets = [0, 6], sizes = [512, 1], strides = [1, 1]} : vector<512x12xf32> to vector<512x1xf32>
      %jit3A_569 = arith.constant -1.000000e+30 : f32
      %broadcast_in_dim3A_570 = vector.shape_cast %slice3A_568 : vector<512x1xf32> to vector<512x1xf32>
      %broadcast_in_dim3A_571 = vector.broadcast %broadcast_in_dim3A_570 : vector<512x1xf32> to vector<512x128xf32>
      %broadcast_in_dim3A_572 = vector.broadcast %jit3A_569 : f32 to vector<512x128xf32>
      %select_n3A_573 = arith.select %and3A_346, %broadcast_in_dim3A_571, %broadcast_in_dim3A_572 : vector<512x128xi1>, vector<512x128xf32>
      %reduce_max3A_574 = arith.constant dense<0xFF800000> : vector<128xf32>
      %reduce_max3A_575 = vector.multi_reduction <maximumf>, %select_n3A_573, %reduce_max3A_574 [0] : vector<512x128xf32> to vector<128xf32>
      %broadcast_in_dim3A_576 = vector.shape_cast %reduce_max3A_575 : vector<128xf32> to vector<1x128xf32>
      %slice3A_577 = vector.extract_strided_slice %select_n3A_511 {offsets = [0, 7], sizes = [512, 1], strides = [1, 1]} : vector<512x12xf32> to vector<512x1xf32>
      %jit3A_578 = arith.constant -1.000000e+30 : f32
      %broadcast_in_dim3A_579 = vector.shape_cast %slice3A_577 : vector<512x1xf32> to vector<512x1xf32>
      %broadcast_in_dim3A_580 = vector.broadcast %broadcast_in_dim3A_579 : vector<512x1xf32> to vector<512x128xf32>
      %broadcast_in_dim3A_581 = vector.broadcast %jit3A_578 : f32 to vector<512x128xf32>
      %select_n3A_582 = arith.select %and3A_346, %broadcast_in_dim3A_580, %broadcast_in_dim3A_581 : vector<512x128xi1>, vector<512x128xf32>
      %reduce_max3A_583 = arith.constant dense<0xFF800000> : vector<128xf32>
      %reduce_max3A_584 = vector.multi_reduction <maximumf>, %select_n3A_582, %reduce_max3A_583 [0] : vector<512x128xf32> to vector<128xf32>
      %broadcast_in_dim3A_585 = vector.shape_cast %reduce_max3A_584 : vector<128xf32> to vector<1x128xf32>
      %slice3A_586 = vector.extract_strided_slice %select_n3A_511 {offsets = [0, 8], sizes = [512, 1], strides = [1, 1]} : vector<512x12xf32> to vector<512x1xf32>
      %jit3A_587 = arith.constant -1.000000e+30 : f32
      %broadcast_in_dim3A_588 = vector.shape_cast %slice3A_586 : vector<512x1xf32> to vector<512x1xf32>
      %broadcast_in_dim3A_589 = vector.broadcast %broadcast_in_dim3A_588 : vector<512x1xf32> to vector<512x128xf32>
      %broadcast_in_dim3A_590 = vector.broadcast %jit3A_587 : f32 to vector<512x128xf32>
      %select_n3A_591 = arith.select %and3A_346, %broadcast_in_dim3A_589, %broadcast_in_dim3A_590 : vector<512x128xi1>, vector<512x128xf32>
      %reduce_max3A_592 = arith.constant dense<0xFF800000> : vector<128xf32>
      %reduce_max3A_593 = vector.multi_reduction <maximumf>, %select_n3A_591, %reduce_max3A_592 [0] : vector<512x128xf32> to vector<128xf32>
      %broadcast_in_dim3A_594 = vector.shape_cast %reduce_max3A_593 : vector<128xf32> to vector<1x128xf32>
      %slice3A_595 = vector.extract_strided_slice %select_n3A_511 {offsets = [0, 9], sizes = [512, 1], strides = [1, 1]} : vector<512x12xf32> to vector<512x1xf32>
      %jit3A_596 = arith.constant -1.000000e+30 : f32
      %broadcast_in_dim3A_597 = vector.shape_cast %slice3A_595 : vector<512x1xf32> to vector<512x1xf32>
      %broadcast_in_dim3A_598 = vector.broadcast %broadcast_in_dim3A_597 : vector<512x1xf32> to vector<512x128xf32>
      %broadcast_in_dim3A_599 = vector.broadcast %jit3A_596 : f32 to vector<512x128xf32>
      %select_n3A_600 = arith.select %and3A_346, %broadcast_in_dim3A_598, %broadcast_in_dim3A_599 : vector<512x128xi1>, vector<512x128xf32>
      %reduce_max3A_601 = arith.constant dense<0xFF800000> : vector<128xf32>
      %reduce_max3A_602 = vector.multi_reduction <maximumf>, %select_n3A_600, %reduce_max3A_601 [0] : vector<512x128xf32> to vector<128xf32>
      %broadcast_in_dim3A_603 = vector.shape_cast %reduce_max3A_602 : vector<128xf32> to vector<1x128xf32>
      %slice3A_604 = vector.extract_strided_slice %select_n3A_511 {offsets = [0, 10], sizes = [512, 1], strides = [1, 1]} : vector<512x12xf32> to vector<512x1xf32>
      %jit3A_605 = arith.constant -1.000000e+30 : f32
      %broadcast_in_dim3A_606 = vector.shape_cast %slice3A_604 : vector<512x1xf32> to vector<512x1xf32>
      %broadcast_in_dim3A_607 = vector.broadcast %broadcast_in_dim3A_606 : vector<512x1xf32> to vector<512x128xf32>
      %broadcast_in_dim3A_608 = vector.broadcast %jit3A_605 : f32 to vector<512x128xf32>
      %select_n3A_609 = arith.select %and3A_346, %broadcast_in_dim3A_607, %broadcast_in_dim3A_608 : vector<512x128xi1>, vector<512x128xf32>
      %reduce_max3A_610 = arith.constant dense<0xFF800000> : vector<128xf32>
      %reduce_max3A_611 = vector.multi_reduction <maximumf>, %select_n3A_609, %reduce_max3A_610 [0] : vector<512x128xf32> to vector<128xf32>
      %broadcast_in_dim3A_612 = vector.shape_cast %reduce_max3A_611 : vector<128xf32> to vector<1x128xf32>
      %slice3A_613 = vector.extract_strided_slice %select_n3A_511 {offsets = [0, 11], sizes = [512, 1], strides = [1, 1]} : vector<512x12xf32> to vector<512x1xf32>
      %jit3A_614 = arith.constant -1.000000e+30 : f32
      %broadcast_in_dim3A_615 = vector.shape_cast %slice3A_613 : vector<512x1xf32> to vector<512x1xf32>
      %broadcast_in_dim3A_616 = vector.broadcast %broadcast_in_dim3A_615 : vector<512x1xf32> to vector<512x128xf32>
      %broadcast_in_dim3A_617 = vector.broadcast %jit3A_614 : f32 to vector<512x128xf32>
      %select_n3A_618 = arith.select %and3A_346, %broadcast_in_dim3A_616, %broadcast_in_dim3A_617 : vector<512x128xi1>, vector<512x128xf32>
      %reduce_max3A_619 = arith.constant dense<0xFF800000> : vector<128xf32>
      %reduce_max3A_620 = vector.multi_reduction <maximumf>, %select_n3A_618, %reduce_max3A_619 [0] : vector<512x128xf32> to vector<128xf32>
      %broadcast_in_dim3A_621 = vector.shape_cast %reduce_max3A_620 : vector<128xf32> to vector<1x128xf32>
      %broadcast_in_dim3A_622 = arith.constant -1.000000e+30 : f32
      %broadcast_in_dim3A_623 = vector.broadcast %broadcast_in_dim3A_622 : f32 to vector<4x128xf32>
      %concatenate3A_624 = tpu.concatenate %broadcast_in_dim3A_522, %broadcast_in_dim3A_531, %broadcast_in_dim3A_540, %broadcast_in_dim3A_549, %broadcast_in_dim3A_558, %broadcast_in_dim3A_567, %broadcast_in_dim3A_576, %broadcast_in_dim3A_585, %broadcast_in_dim3A_594, %broadcast_in_dim3A_603, %broadcast_in_dim3A_612, %broadcast_in_dim3A_621, %broadcast_in_dim3A_623 in 0 : vector<1x128xf32>, vector<1x128xf32>, vector<1x128xf32>, vector<1x128xf32>, vector<1x128xf32>, vector<1x128xf32>, vector<1x128xf32>, vector<1x128xf32>, vector<1x128xf32>, vector<1x128xf32>, vector<1x128xf32>, vector<1x128xf32>, vector<4x128xf32> -> vector<16x128xf32>
      %max3A = arith.maximumf %get3A_514, %concatenate3A_624 : vector<16x128xf32>
      %sub3A_625 = arith.subf %get3A_514, %max3A : vector<16x128xf32>
      %exp3A_626 = math.exp %sub3A_625 : vector<16x128xf32>
      %swap3A_627 = arith.constant 0 : index
      %swap3A_628 = arith.constant 0 : index
      %swap3A_629 = vector.load %arg29[%swap3A_627, %swap3A_628] : memref<16x128xf32, #tpu.memory_space<vmem>>, vector<16x128xf32>
      tpu.vector_store %arg29[%swap3A_627, %swap3A_628], %max3A {strides = array<i32>} : memref<16x128xf32, #tpu.memory_space<vmem>>, vector<16x128xf32>,
      %get3A_630 = arith.constant 0 : index
      %get3A_631 = arith.constant 0 : index
      %get3A_632 = vector.load %arg30[%get3A_630, %get3A_631] : memref<16x128xf32, #tpu.memory_space<vmem>>, vector<16x128xf32>
      %mul3A_633 = arith.mulf %get3A_632, %exp3A_626 : vector<16x128xf32>
      %swap3A_634 = arith.constant 0 : index
      %swap3A_635 = arith.constant 0 : index
      %swap3A_636 = vector.load %arg30[%swap3A_634, %swap3A_635] : memref<16x128xf32, #tpu.memory_space<vmem>>, vector<16x128xf32>
      tpu.vector_store %arg30[%swap3A_634, %swap3A_635], %mul3A_633 {strides = array<i32>} : memref<16x128xf32, #tpu.memory_space<vmem>>, vector<16x128xf32>,
      %slice3A_637 = vector.extract_strided_slice %exp3A_626 {offsets = [0, 0], sizes = [12, 128], strides = [1, 1]} : vector<16x128xf32> to vector<12x128xf32>
      %broadcast_in_dim3A_638 = vector.shape_cast %slice3A_637 : vector<12x128xf32> to vector<12x1x128xf32>
      %broadcast_in_dim3A_639 = vector.shape_cast %broadcast_in_dim3A_638 : vector<12x1x128xf32> to vector<12x1x128xf32>
      %broadcast_in_dim3A_640 = vector.broadcast %broadcast_in_dim3A_639 : vector<12x1x128xf32> to vector<12x16x128xf32>
      %reshape3A_641 = vector.shape_cast %broadcast_in_dim3A_640 : vector<12x16x128xf32> to vector<192x128xf32>
      %broadcast_in_dim3A_642 = vector.shape_cast %slice3A_637 : vector<12x128xf32> to vector<12x1x128xf32>
      %broadcast_in_dim3A_643 = vector.shape_cast %broadcast_in_dim3A_642 : vector<12x1x128xf32> to vector<12x1x128xf32>
      %broadcast_in_dim3A_644 = vector.broadcast %broadcast_in_dim3A_643 : vector<12x1x128xf32> to vector<12x8x128xf32>
      %reshape3A_645 = vector.shape_cast %broadcast_in_dim3A_644 : vector<12x8x128xf32> to vector<96x128xf32>
      %get3A_646 = arith.constant 0 : index
      %get3A_647 = arith.constant 0 : index
      %get3A_648 = vector.load %arg31[%get3A_646, %get3A_647] : memref<192x128xf32, #tpu.memory_space<vmem>>, vector<192x128xf32>
      %mul3A_649 = arith.mulf %get3A_648, %reshape3A_641 : vector<192x128xf32>
      %swap3A_650 = arith.constant 0 : index
      %swap3A_651 = arith.constant 0 : index
      %swap3A_652 = vector.load %arg31[%swap3A_650, %swap3A_651] : memref<192x128xf32, #tpu.memory_space<vmem>>, vector<192x128xf32>
      tpu.vector_store %arg31[%swap3A_650, %swap3A_651], %mul3A_649 {strides = array<i32>} : memref<192x128xf32, #tpu.memory_space<vmem>>, vector<192x128xf32>,
      %get3A_653 = arith.constant 0 : index
      %get3A_654 = arith.constant 0 : index
      %get3A_655 = vector.load %arg32[%get3A_653, %get3A_654] : memref<288x128xf32, #tpu.memory_space<vmem>>, vector<288x128xf32>
      %concatenate3A_656 = tpu.concatenate %reshape3A_645, %reshape3A_645, %reshape3A_645 in 0 : vector<96x128xf32>, vector<96x128xf32>, vector<96x128xf32> -> vector<288x128xf32>
      %mul3A_657 = arith.mulf %get3A_655, %concatenate3A_656 : vector<288x128xf32>
      %swap3A_658 = arith.constant 0 : index
      %swap3A_659 = arith.constant 0 : index
      %swap3A_660 = vector.load %arg32[%swap3A_658, %swap3A_659] : memref<288x128xf32, #tpu.memory_space<vmem>>, vector<288x128xf32>
      tpu.vector_store %arg32[%swap3A_658, %swap3A_659], %mul3A_657 {strides = array<i32>} : memref<288x128xf32, #tpu.memory_space<vmem>>, vector<288x128xf32>,
      %broadcast_in_dim3A_661 = vector.shape_cast %slice3A_637 : vector<12x128xf32> to vector<12x1x128xf32>
      %broadcast_in_dim3A_662 = vector.shape_cast %broadcast_in_dim3A_661 : vector<12x1x128xf32> to vector<12x1x128xf32>
      %broadcast_in_dim3A_663 = vector.broadcast %broadcast_in_dim3A_662 : vector<12x1x128xf32> to vector<12x4x128xf32>
      %reshape3A_664 = vector.shape_cast %broadcast_in_dim3A_663 : vector<12x4x128xf32> to vector<48x128xf32>
      %get3A_665 = arith.constant 0 : index
      %get3A_666 = arith.constant 0 : index
      %get3A_667 = vector.load %arg33[%get3A_665, %get3A_666] : memref<48x128xf32, #tpu.memory_space<vmem>>, vector<48x128xf32>
      %mul3A_668 = arith.mulf %get3A_667, %reshape3A_664 : vector<48x128xf32>
      %swap3A_669 = arith.constant 0 : index
      %swap3A_670 = arith.constant 0 : index
      %swap3A_671 = vector.load %arg33[%swap3A_669, %swap3A_670] : memref<48x128xf32, #tpu.memory_space<vmem>>, vector<48x128xf32>
      tpu.vector_store %arg33[%swap3A_669, %swap3A_670], %mul3A_668 {strides = array<i32>} : memref<48x128xf32, #tpu.memory_space<vmem>>, vector<48x128xf32>,
      %dot_general3A_672 = arith.constant dense<0.000000e+00> : vector<512x16xf32>
      %dot_general3A_673 = tpu.matmul %convert_element_type3A_347, %max3A, %dot_general3A_672 {dimension_numbers = #tpu.dot_dimension_numbers<[1], [1], [0], [0], [0, 0, 1, 0], [], []>, precision = #tpu.contract_precision<fp32>, transpose_lhs_hint = false} : vector<512x128xf32>, vector<16x128xf32>, vector<512x16xf32> -> vector<512x16xf32>
      %slice3A_674 = vector.extract_strided_slice %dot_general3A_673 {offsets = [0, 0], sizes = [512, 12], strides = [1, 1]} : vector<512x16xf32> to vector<512x12xf32>
      %sub3A_675 = arith.subf %select_n3A_511, %slice3A_674 : vector<512x12xf32>
      %exp3A_676 = math.exp %sub3A_675 : vector<512x12xf32>
      %reshape3A_677 = vector.shape_cast %add3A_370 : vector<512x192xf32> to vector<512x12x16xf32>
      %broadcast_in_dim3A_678 = vector.shape_cast %exp3A_676 : vector<512x12xf32> to vector<512x12x1xf32>
      %mul3A_679 = vector.broadcast %broadcast_in_dim3A_678 : vector<512x12x1xf32> to vector<512x12x16xf32>
      %mul3A_680 = arith.mulf %reshape3A_677, %mul3A_679 : vector<512x12x16xf32>
      %reshape3A_681 = vector.shape_cast %mul3A_680 : vector<512x12x16xf32> to vector<512x192xf32>
      %broadcast_in_dim3A_682 = vector.shape_cast %exp3A_676 : vector<512x12xf32> to vector<512x12x1xf32>
      %broadcast_in_dim3A_683 = vector.shape_cast %broadcast_in_dim3A_682 : vector<512x12x1xf32> to vector<512x12x1xf32>
      %broadcast_in_dim3A_684 = vector.broadcast %broadcast_in_dim3A_683 : vector<512x12x1xf32> to vector<512x12x8xf32>
      %reshape3A_685 = vector.shape_cast %broadcast_in_dim3A_684 : vector<512x12x8xf32> to vector<512x96xf32>
      %concatenate3A_686 = tpu.concatenate %reshape3A_685, %reshape3A_685, %reshape3A_685 in 1 : vector<512x96xf32>, vector<512x96xf32>, vector<512x96xf32> -> vector<512x288xf32>
      %mul3A_687 = arith.mulf %concatenate3A_463, %concatenate3A_686 : vector<512x288xf32>
      %get3A_688 = arith.constant 0 : index
      %get3A_689 = arith.constant 0 : index
      %get3A_690 = vector.load %arg27[%get3A_688, %get3A_689] : memref<512x128xf32, #tpu.memory_space<vmem>>, vector<512x16xf32>
      %get3A_691 = arith.constant 0 : index
      %get3A_692 = arith.constant 0 : index
      %get3A_693 = vector.load %arg17[%get3A_691, %get3A_692] : memref<4x16xf32, #tpu.memory_space<vmem>>, vector<4x16xf32>
      %dot_general3A_694 = arith.constant dense<0.000000e+00> : vector<512x4xf32>
      %dot_general3A_695 = tpu.matmul %get3A_690, %get3A_693, %dot_general3A_694 {dimension_numbers = #tpu.dot_dimension_numbers<[1], [1], [0], [0], [0, 0, 1, 0], [], []>, transpose_lhs_hint = false} : vector<512x16xf32>, vector<4x16xf32>, vector<512x4xf32> -> vector<512x4xf32>
      %get3A_696 = arith.constant 0 : index
      %get3A_697 = arith.constant 0 : index
      %get3A_698 = vector.load %arg18[%get3A_696, %get3A_697] : memref<1x4xf32, #tpu.memory_space<vmem>>, vector<1x4xf32>
      %add3A_699 = vector.broadcast %get3A_698 : vector<1x4xf32> to vector<512x4xf32>
      %add3A_700 = arith.addf %dot_general3A_695, %add3A_699 : vector<512x4xf32>
      %broadcast_in_dim3A_701 = vector.shape_cast %exp3A_676 : vector<512x12xf32> to vector<512x12x1xf32>
      %broadcast_in_dim3A_702 = vector.shape_cast %add3A_700 : vector<512x4xf32> to vector<512x1x4xf32>
      %mul3A_703 = vector.broadcast %broadcast_in_dim3A_701 : vector<512x12x1xf32> to vector<512x12x4xf32>
      %mul3A_704 = vector.broadcast %broadcast_in_dim3A_702 : vector<512x1x4xf32> to vector<512x12x4xf32>
      %mul3A_705 = arith.mulf %mul3A_703, %mul3A_704 : vector<512x12x4xf32>
      %reshape3A_706 = vector.shape_cast %mul3A_705 : vector<512x12x4xf32> to vector<512x48xf32>
      %broadcast_in_dim3A_707 = arith.constant 0.000000e+00 : f32
      %broadcast_in_dim3A_708 = vector.broadcast %broadcast_in_dim3A_707 : f32 to vector<512x4xf32>
      %concatenate3A_709 = tpu.concatenate %exp3A_676, %broadcast_in_dim3A_708, %reshape3A_681, %mul3A_687, %reshape3A_706 in 1 : vector<512x12xf32>, vector<512x4xf32>, vector<512x192xf32>, vector<512x288xf32>, vector<512x48xf32> -> vector<512x544xf32>
      %dot_general3A_710 = arith.constant dense<0.000000e+00> : vector<544x128xf32>
      %dot_general3A_711 = tpu.matmul %concatenate3A_709, %convert_element_type3A_347, %dot_general3A_710 {dimension_numbers = #tpu.dot_dimension_numbers<[0], [0], [1], [1], [0, 1, 1, 1], [], []>, precision = #tpu.contract_precision<fp32>, transpose_lhs_hint = false} : vector<512x544xf32>, vector<512x128xf32>, vector<544x128xf32> -> vector<544x128xf32>
      %get3A_712 = arith.constant 0 : index
      %get3A_713 = arith.constant 0 : index
      %get3A_714 = vector.load %arg30[%get3A_712, %get3A_713] : memref<16x128xf32, #tpu.memory_space<vmem>>, vector<16x128xf32>
      %slice3A_715 = vector.extract_strided_slice %dot_general3A_711 {offsets = [0, 0], sizes = [16, 128], strides = [1, 1]} : vector<544x128xf32> to vector<16x128xf32>
      %add3A_716 = arith.addf %get3A_714, %slice3A_715 : vector<16x128xf32>
      %swap3A_717 = arith.constant 0 : index
      %swap3A_718 = arith.constant 0 : index
      %swap3A_719 = vector.load %arg30[%swap3A_717, %swap3A_718] : memref<16x128xf32, #tpu.memory_space<vmem>>, vector<16x128xf32>
      tpu.vector_store %arg30[%swap3A_717, %swap3A_718], %add3A_716 {strides = array<i32>} : memref<16x128xf32, #tpu.memory_space<vmem>>, vector<16x128xf32>,
      %get3A_720 = arith.constant 0 : index
      %get3A_721 = arith.constant 0 : index
      %get3A_722 = vector.load %arg31[%get3A_720, %get3A_721] : memref<192x128xf32, #tpu.memory_space<vmem>>, vector<192x128xf32>
      %slice3A_723 = vector.extract_strided_slice %dot_general3A_711 {offsets = [16, 0], sizes = [192, 128], strides = [1, 1]} : vector<544x128xf32> to vector<192x128xf32>
      %add3A_724 = arith.addf %get3A_722, %slice3A_723 : vector<192x128xf32>
      %swap3A_725 = arith.constant 0 : index
      %swap3A_726 = arith.constant 0 : index
      %swap3A_727 = vector.load %arg31[%swap3A_725, %swap3A_726] : memref<192x128xf32, #tpu.memory_space<vmem>>, vector<192x128xf32>
      tpu.vector_store %arg31[%swap3A_725, %swap3A_726], %add3A_724 {strides = array<i32>} : memref<192x128xf32, #tpu.memory_space<vmem>>, vector<192x128xf32>,
      %get3A_728 = arith.constant 0 : index
      %get3A_729 = arith.constant 0 : index
      %get3A_730 = vector.load %arg32[%get3A_728, %get3A_729] : memref<288x128xf32, #tpu.memory_space<vmem>>, vector<288x128xf32>
      %slice3A_731 = vector.extract_strided_slice %dot_general3A_711 {offsets = [208, 0], sizes = [288, 128], strides = [1, 1]} : vector<544x128xf32> to vector<288x128xf32>
      %add3A_732 = arith.addf %get3A_730, %slice3A_731 : vector<288x128xf32>
      %swap3A_733 = arith.constant 0 : index
      %swap3A_734 = arith.constant 0 : index
      %swap3A_735 = vector.load %arg32[%swap3A_733, %swap3A_734] : memref<288x128xf32, #tpu.memory_space<vmem>>, vector<288x128xf32>
      tpu.vector_store %arg32[%swap3A_733, %swap3A_734], %add3A_732 {strides = array<i32>} : memref<288x128xf32, #tpu.memory_space<vmem>>, vector<288x128xf32>,
      %get3A_736 = arith.constant 0 : index
      %get3A_737 = arith.constant 0 : index
      %get3A_738 = vector.load %arg33[%get3A_736, %get3A_737] : memref<48x128xf32, #tpu.memory_space<vmem>>, vector<48x128xf32>
      %slice3A_739 = vector.extract_strided_slice %dot_general3A_711 {offsets = [496, 0], sizes = [48, 128], strides = [1, 1]} : vector<544x128xf32> to vector<48x128xf32>
      %add3A_740 = arith.addf %get3A_738, %slice3A_739 : vector<48x128xf32>
      %swap3A_741 = arith.constant 0 : index
      %swap3A_742 = arith.constant 0 : index
      %swap3A_743 = vector.load %arg33[%swap3A_741, %swap3A_742] : memref<48x128xf32, #tpu.memory_space<vmem>>, vector<48x128xf32>
      tpu.vector_store %arg33[%swap3A_741, %swap3A_742], %add3A_740 {strides = array<i32>} : memref<48x128xf32, #tpu.memory_space<vmem>>, vector<48x128xf32>,
      %while3A_744 = arith.constant 0 : i32
      scf.yield %while3A_744 : i32
    }
    %get3A_185 = arith.constant 0 : index
    %get3A_186 = arith.constant 0 : index
    %get3A_187 = vector.load %arg30[%get3A_185, %get3A_186] : memref<16x128xf32, #tpu.memory_space<vmem>>, vector<12x128xf32>
    %add3A_188 = arith.constant 9.99999993E-9 : f32
    %add3A_189 = vector.broadcast %add3A_188 : f32 to vector<12x128xf32>
    %add3A_190 = arith.addf %get3A_187, %add3A_189 : vector<12x128xf32>
    %div3A_191 = arith.constant 1.000000e+00 : f32
    %div3A_192 = vector.broadcast %div3A_191 : f32 to vector<12x128xf32>
    %div3A_193 = arith.divf %div3A_192, %add3A_190 : vector<12x128xf32>
    %broadcast_in_dim3A_194 = vector.shape_cast %div3A_193 : vector<12x128xf32> to vector<12x1x128xf32>
    %broadcast_in_dim3A_195 = vector.shape_cast %broadcast_in_dim3A_194 : vector<12x1x128xf32> to vector<12x1x128xf32>
    %broadcast_in_dim3A_196 = vector.broadcast %broadcast_in_dim3A_195 : vector<12x1x128xf32> to vector<12x16x128xf32>
    %reshape3A = vector.shape_cast %broadcast_in_dim3A_196 : vector<12x16x128xf32> to vector<192x128xf32>
    %broadcast_in_dim3A_197 = vector.shape_cast %div3A_193 : vector<12x128xf32> to vector<12x1x128xf32>
    %broadcast_in_dim3A_198 = vector.shape_cast %broadcast_in_dim3A_197 : vector<12x1x128xf32> to vector<12x1x128xf32>
    %broadcast_in_dim3A_199 = vector.broadcast %broadcast_in_dim3A_198 : vector<12x1x128xf32> to vector<12x8x128xf32>
    %reshape3A_200 = vector.shape_cast %broadcast_in_dim3A_199 : vector<12x8x128xf32> to vector<96x128xf32>
    %broadcast_in_dim3A_201 = vector.shape_cast %div3A_193 : vector<12x128xf32> to vector<12x1x128xf32>
    %broadcast_in_dim3A_202 = vector.shape_cast %broadcast_in_dim3A_201 : vector<12x1x128xf32> to vector<12x1x128xf32>
    %broadcast_in_dim3A_203 = vector.broadcast %broadcast_in_dim3A_202 : vector<12x1x128xf32> to vector<12x4x128xf32>
    %reshape3A_204 = vector.shape_cast %broadcast_in_dim3A_203 : vector<12x4x128xf32> to vector<48x128xf32>
    %get3A_205 = arith.constant 0 : index
    %get3A_206 = arith.constant 0 : index
    %get3A_207 = vector.load %arg31[%get3A_205, %get3A_206] : memref<192x128xf32, #tpu.memory_space<vmem>>, vector<192x128xf32>
    %mul3A_208 = arith.mulf %get3A_207, %reshape3A : vector<192x128xf32>
    %get3A_209 = arith.constant 0 : index
    %get3A_210 = arith.constant 0 : index
    %get3A_211 = vector.load %arg32[%get3A_209, %get3A_210] : memref<288x128xf32, #tpu.memory_space<vmem>>, vector<288x128xf32>
    %concatenate3A_212 = tpu.concatenate %reshape3A_200, %reshape3A_200, %reshape3A_200 in 0 : vector<96x128xf32>, vector<96x128xf32>, vector<96x128xf32> -> vector<288x128xf32>
    %mul3A_213 = arith.mulf %get3A_211, %concatenate3A_212 : vector<288x128xf32>
    %get3A_214 = arith.constant 0 : index
    %get3A_215 = arith.constant 0 : index
    %get3A_216 = vector.load %arg33[%get3A_214, %get3A_215] : memref<48x128xf32, #tpu.memory_space<vmem>>, vector<48x128xf32>
    %mul3A_217 = arith.mulf %get3A_216, %reshape3A_204 : vector<48x128xf32>
    %slice3A_218 = vector.extract_strided_slice %mul3A_213 {offsets = [0, 0], sizes = [96, 128], strides = [1, 1]} : vector<288x128xf32> to vector<96x128xf32>
    %get3A_219 = arith.constant 9 : index
    %get3A_220 = arith.constant 0 : index
    %get3A_221 = vector.load %arg4[%get3A_219, %get3A_220] : memref<12x128xf32, #tpu.memory_space<vmem>>, vector<1x128xf32>
    %sub3A_222 = vector.broadcast %get3A_221 : vector<1x128xf32> to vector<96x128xf32>
    %sub3A_223 = arith.subf %slice3A_218, %sub3A_222 : vector<96x128xf32>
    %slice3A_224 = vector.extract_strided_slice %mul3A_213 {offsets = [96, 0], sizes = [96, 128], strides = [1, 1]} : vector<288x128xf32> to vector<96x128xf32>
    %get3A_225 = arith.constant 10 : index
    %get3A_226 = arith.constant 0 : index
    %get3A_227 = vector.load %arg4[%get3A_225, %get3A_226] : memref<12x128xf32, #tpu.memory_space<vmem>>, vector<1x128xf32>
    %sub3A_228 = vector.broadcast %get3A_227 : vector<1x128xf32> to vector<96x128xf32>
    %sub3A_229 = arith.subf %slice3A_224, %sub3A_228 : vector<96x128xf32>
    %slice3A_230 = vector.extract_strided_slice %mul3A_213 {offsets = [192, 0], sizes = [96, 128], strides = [1, 1]} : vector<288x128xf32> to vector<96x128xf32>
    %get3A_231 = arith.constant 11 : index
    %get3A_232 = arith.constant 0 : index
    %get3A_233 = vector.load %arg4[%get3A_231, %get3A_232] : memref<12x128xf32, #tpu.memory_space<vmem>>, vector<1x128xf32>
    %sub3A_234 = vector.broadcast %get3A_233 : vector<1x128xf32> to vector<96x128xf32>
    %sub3A_235 = arith.subf %slice3A_230, %sub3A_234 : vector<96x128xf32>
    %broadcast_in_dim3A_236 = arith.constant 0.000000e+00 : f32
    %broadcast_in_dim3A_237 = vector.broadcast %broadcast_in_dim3A_236 : f32 to vector<96x128xf32>
    %get3A_238 = arith.constant 0 : index
    %get3A_239 = arith.constant 0 : index
    %get3A_240 = vector.load %arg4[%get3A_238, %get3A_239] : memref<12x128xf32, #tpu.memory_space<vmem>>, vector<1x128xf32>
    %mul3A_241 = vector.broadcast %get3A_240 : vector<1x128xf32> to vector<96x128xf32>
    %mul3A_242 = arith.mulf %mul3A_241, %sub3A_223 : vector<96x128xf32>
    %add3A_243 = arith.addf %broadcast_in_dim3A_237, %mul3A_242 : vector<96x128xf32>
    %get3A_244 = arith.constant 3 : index
    %get3A_245 = arith.constant 0 : index
    %get3A_246 = vector.load %arg4[%get3A_244, %get3A_245] : memref<12x128xf32, #tpu.memory_space<vmem>>, vector<1x128xf32>
    %mul3A_247 = vector.broadcast %get3A_246 : vector<1x128xf32> to vector<96x128xf32>
    %mul3A_248 = arith.mulf %mul3A_247, %sub3A_229 : vector<96x128xf32>
    %add3A_249 = arith.addf %add3A_243, %mul3A_248 : vector<96x128xf32>
    %get3A_250 = arith.constant 6 : index
    %get3A_251 = arith.constant 0 : index
    %get3A_252 = vector.load %arg4[%get3A_250, %get3A_251] : memref<12x128xf32, #tpu.memory_space<vmem>>, vector<1x128xf32>
    %mul3A_253 = vector.broadcast %get3A_252 : vector<1x128xf32> to vector<96x128xf32>
    %mul3A_254 = arith.mulf %mul3A_253, %sub3A_235 : vector<96x128xf32>
    %add3A_255 = arith.addf %add3A_249, %mul3A_254 : vector<96x128xf32>
    %broadcast_in_dim3A_256 = arith.constant 0.000000e+00 : f32
    %broadcast_in_dim3A_257 = vector.broadcast %broadcast_in_dim3A_256 : f32 to vector<96x128xf32>
    %get3A_258 = arith.constant 1 : index
    %get3A_259 = arith.constant 0 : index
    %get3A_260 = vector.load %arg4[%get3A_258, %get3A_259] : memref<12x128xf32, #tpu.memory_space<vmem>>, vector<1x128xf32>
    %mul3A_261 = vector.broadcast %get3A_260 : vector<1x128xf32> to vector<96x128xf32>
    %mul3A_262 = arith.mulf %mul3A_261, %sub3A_223 : vector<96x128xf32>
    %add3A_263 = arith.addf %broadcast_in_dim3A_257, %mul3A_262 : vector<96x128xf32>
    %get3A_264 = arith.constant 4 : index
    %get3A_265 = arith.constant 0 : index
    %get3A_266 = vector.load %arg4[%get3A_264, %get3A_265] : memref<12x128xf32, #tpu.memory_space<vmem>>, vector<1x128xf32>
    %mul3A_267 = vector.broadcast %get3A_266 : vector<1x128xf32> to vector<96x128xf32>
    %mul3A_268 = arith.mulf %mul3A_267, %sub3A_229 : vector<96x128xf32>
    %add3A_269 = arith.addf %add3A_263, %mul3A_268 : vector<96x128xf32>
    %get3A_270 = arith.constant 7 : index
    %get3A_271 = arith.constant 0 : index
    %get3A_272 = vector.load %arg4[%get3A_270, %get3A_271] : memref<12x128xf32, #tpu.memory_space<vmem>>, vector<1x128xf32>
    %mul3A_273 = vector.broadcast %get3A_272 : vector<1x128xf32> to vector<96x128xf32>
    %mul3A_274 = arith.mulf %mul3A_273, %sub3A_235 : vector<96x128xf32>
    %add3A_275 = arith.addf %add3A_269, %mul3A_274 : vector<96x128xf32>
    %broadcast_in_dim3A_276 = arith.constant 0.000000e+00 : f32
    %broadcast_in_dim3A_277 = vector.broadcast %broadcast_in_dim3A_276 : f32 to vector<96x128xf32>
    %get3A_278 = arith.constant 2 : index
    %get3A_279 = arith.constant 0 : index
    %get3A_280 = vector.load %arg4[%get3A_278, %get3A_279] : memref<12x128xf32, #tpu.memory_space<vmem>>, vector<1x128xf32>
    %mul3A_281 = vector.broadcast %get3A_280 : vector<1x128xf32> to vector<96x128xf32>
    %mul3A_282 = arith.mulf %mul3A_281, %sub3A_223 : vector<96x128xf32>
    %add3A_283 = arith.addf %broadcast_in_dim3A_277, %mul3A_282 : vector<96x128xf32>
    %get3A_284 = arith.constant 5 : index
    %get3A_285 = arith.constant 0 : index
    %get3A_286 = vector.load %arg4[%get3A_284, %get3A_285] : memref<12x128xf32, #tpu.memory_space<vmem>>, vector<1x128xf32>
    %mul3A_287 = vector.broadcast %get3A_286 : vector<1x128xf32> to vector<96x128xf32>
    %mul3A_288 = arith.mulf %mul3A_287, %sub3A_229 : vector<96x128xf32>
    %add3A_289 = arith.addf %add3A_283, %mul3A_288 : vector<96x128xf32>
    %get3A_290 = arith.constant 8 : index
    %get3A_291 = arith.constant 0 : index
    %get3A_292 = vector.load %arg4[%get3A_290, %get3A_291] : memref<12x128xf32, #tpu.memory_space<vmem>>, vector<1x128xf32>
    %mul3A_293 = vector.broadcast %get3A_292 : vector<1x128xf32> to vector<96x128xf32>
    %mul3A_294 = arith.mulf %mul3A_293, %sub3A_235 : vector<96x128xf32>
    %add3A_295 = arith.addf %add3A_289, %mul3A_294 : vector<96x128xf32>
    %mul3A_296 = arith.mulf %add3A_255, %add3A_255 : vector<96x128xf32>
    %mul3A_297 = arith.mulf %add3A_275, %add3A_275 : vector<96x128xf32>
    %add3A_298 = arith.addf %mul3A_296, %mul3A_297 : vector<96x128xf32>
    %mul3A_299 = arith.mulf %add3A_295, %add3A_295 : vector<96x128xf32>
    %add3A_300 = arith.addf %add3A_298, %mul3A_299 : vector<96x128xf32>
    %add3A_301 = arith.constant 9.99999993E-9 : f32
    %add3A_302 = vector.broadcast %add3A_301 : f32 to vector<96x128xf32>
    %add3A_303 = arith.addf %add3A_300, %add3A_302 : vector<96x128xf32>
    %sqrt3A = math.sqrt %add3A_303 : vector<96x128xf32>
    %concatenate3A_304 = tpu.concatenate %mul3A_208, %add3A_255, %add3A_275, %add3A_295, %sqrt3A, %mul3A_217 in 0 : vector<192x128xf32>, vector<96x128xf32>, vector<96x128xf32>, vector<96x128xf32>, vector<96x128xf32>, vector<48x128xf32> -> vector<624x128xf32>
    %get3A_305 = arith.constant 0 : index
    %get3A_306 = arith.constant 0 : index
    %get3A_307 = vector.load %arg20[%get3A_305, %get3A_306] : memref<128x624xf32, #tpu.memory_space<vmem>>, vector<128x624xf32>
    %dot_general3A_308 = arith.constant dense<0.000000e+00> : vector<128x128xf32>
    %dot_general3A_309 = tpu.matmul %get3A_307, %concatenate3A_304, %dot_general3A_308 {dimension_numbers = #tpu.dot_dimension_numbers<[1], [0], [0], [1], [0, 0, 1, 1], [], []>, transpose_lhs_hint = false} : vector<128x624xf32>, vector<624x128xf32>, vector<128x128xf32> -> vector<128x128xf32>
    %get3A_310 = arith.constant 0 : index
    %get3A_311 = arith.constant 0 : index
    %get3A_312 = vector.load %arg21[%get3A_310, %get3A_311] : memref<128x1xf32, #tpu.memory_space<vmem>>, vector<128x1xf32>
    %add3A_313 = vector.broadcast %get3A_312 : vector<128x1xf32> to vector<128x128xf32>
    %add3A_314 = arith.addf %dot_general3A_309, %add3A_313 : vector<128x128xf32>
    %swap3A_315 = arith.constant 0 : index
    %swap3A_316 = arith.constant 0 : index
    %swap3A_317 = vector.load %arg25[%swap3A_315, %swap3A_316] : memref<128x128xf32, #tpu.memory_space<vmem>>, vector<128x128xf32>
    tpu.vector_store %arg25[%swap3A_315, %swap3A_316], %add3A_314 {strides = array<i32>} : memref<128x128xf32, #tpu.memory_space<vmem>>, vector<128x128xf32>,
    return
  }
  func.func @transform_0(%arg0: i32, %arg1: memref<81xi32, #tpu.memory_space<smem>>) -> (i32, i32) {
    %c0_i32 = arith.constant 0 : i32
    %c0_i32_0 = arith.constant 0 : i32
    return %arg0, %c0_i32 : i32, i32
  }
  func.func @transform_1(%arg0: i32, %arg1: memref<81xi32, #tpu.memory_space<smem>>) -> (i32, i32) {
    %c0_i32 = arith.constant 0 : i32
    %c0_i32_0 = arith.constant 0 : i32
    return %arg0, %c0_i32 : i32, i32
  }
  func.func @transform_2(%arg0: i32, %arg1: memref<81xi32, #tpu.memory_space<smem>>) -> (i32, i32) {
    %c0_i32 = arith.constant 0 : i32
    %c0_i32_0 = arith.constant 0 : i32
    return %c0_i32, %arg0 : i32, i32
  }
  func.func @transform_3(%arg0: i32, %arg1: memref<81xi32, #tpu.memory_space<smem>>) -> (i32, i32) {
    %c0_i32 = arith.constant 0 : i32
    %c0_i32_0 = arith.constant 0 : i32
    %c0_i32_1 = arith.constant 0 : i32
    return %c0_i32, %c0_i32_0 : i32, i32
  }
  func.func @transform_4(%arg0: i32, %arg1: memref<81xi32, #tpu.memory_space<smem>>) -> (i32, i32) {
    %c0_i32 = arith.constant 0 : i32
    %c0_i32_0 = arith.constant 0 : i32
    %c0_i32_1 = arith.constant 0 : i32
    return %c0_i32, %c0_i32_0 : i32, i32
  }
  func.func @transform_5(%arg0: i32, %arg1: memref<81xi32, #tpu.memory_space<smem>>) -> (i32, i32) {
    %c0_i32 = arith.constant 0 : i32
    %c0_i32_0 = arith.constant 0 : i32
    %c0_i32_1 = arith.constant 0 : i32
    return %c0_i32, %c0_i32_0 : i32, i32
  }
  func.func @transform_6(%arg0: i32, %arg1: memref<81xi32, #tpu.memory_space<smem>>) -> (i32, i32) {
    %c0_i32 = arith.constant 0 : i32
    %c0_i32_0 = arith.constant 0 : i32
    %c0_i32_1 = arith.constant 0 : i32
    return %c0_i32, %c0_i32_0 : i32, i32
  }
  func.func @transform_7(%arg0: i32, %arg1: memref<81xi32, #tpu.memory_space<smem>>) -> (i32, i32) {
    %c0_i32 = arith.constant 0 : i32
    %c0_i32_0 = arith.constant 0 : i32
    %c0_i32_1 = arith.constant 0 : i32
    return %c0_i32, %c0_i32_0 : i32, i32
  }
  func.func @transform_8(%arg0: i32, %arg1: memref<81xi32, #tpu.memory_space<smem>>) -> (i32, i32) {
    %c0_i32 = arith.constant 0 : i32
    %c0_i32_0 = arith.constant 0 : i32
    %c0_i32_1 = arith.constant 0 : i32
    return %c0_i32, %c0_i32_0 : i32, i32
  }
  func.func @transform_9(%arg0: i32, %arg1: memref<81xi32, #tpu.memory_space<smem>>) -> (i32, i32) {
    %c0_i32 = arith.constant 0 : i32
    %c0_i32_0 = arith.constant 0 : i32
    %c0_i32_1 = arith.constant 0 : i32
    return %c0_i32, %c0_i32_0 : i32, i32
  }
  func.func @transform_10(%arg0: i32, %arg1: memref<81xi32, #tpu.memory_space<smem>>) -> (i32, i32) {
    %c0_i32 = arith.constant 0 : i32
    %c0_i32_0 = arith.constant 0 : i32
    %c0_i32_1 = arith.constant 0 : i32
    return %c0_i32, %c0_i32_0 : i32, i32
  }
  func.func @transform_11(%arg0: i32, %arg1: memref<81xi32, #tpu.memory_space<smem>>) -> (i32, i32) {
    %c0_i32 = arith.constant 0 : i32
    %c0_i32_0 = arith.constant 0 : i32
    %c0_i32_1 = arith.constant 0 : i32
    return %c0_i32, %c0_i32_0 : i32, i32
  }
  func.func @transform_12(%arg0: i32, %arg1: memref<81xi32, #tpu.memory_space<smem>>) -> (i32, i32) {
    %c0_i32 = arith.constant 0 : i32
    %c0_i32_0 = arith.constant 0 : i32
    %c0_i32_1 = arith.constant 0 : i32
    return %c0_i32, %c0_i32_0 : i32, i32
  }
  func.func @transform_13(%arg0: i32, %arg1: memref<81xi32, #tpu.memory_space<smem>>) -> (i32, i32) {
    %c0_i32 = arith.constant 0 : i32
    %c0_i32_0 = arith.constant 0 : i32
    %c0_i32_1 = arith.constant 0 : i32
    return %c0_i32, %c0_i32_0 : i32, i32
  }
  func.func @transform_14(%arg0: i32, %arg1: memref<81xi32, #tpu.memory_space<smem>>) -> (i32, i32) {
    %c0_i32 = arith.constant 0 : i32
    %c0_i32_0 = arith.constant 0 : i32
    %c0_i32_1 = arith.constant 0 : i32
    return %c0_i32, %c0_i32_0 : i32, i32
  }
  func.func @transform_15(%arg0: i32, %arg1: memref<81xi32, #tpu.memory_space<smem>>) -> (i32, i32) {
    %c0_i32 = arith.constant 0 : i32
    %c0_i32_0 = arith.constant 0 : i32
    %c0_i32_1 = arith.constant 0 : i32
    return %c0_i32, %c0_i32_0 : i32, i32
  }
  func.func @transform_16(%arg0: i32, %arg1: memref<81xi32, #tpu.memory_space<smem>>) -> (i32, i32) {
    %c0_i32 = arith.constant 0 : i32
    %c0_i32_0 = arith.constant 0 : i32
    %c0_i32_1 = arith.constant 0 : i32
    return %c0_i32, %c0_i32_0 : i32, i32
  }
  func.func @transform_17(%arg0: i32, %arg1: memref<81xi32, #tpu.memory_space<smem>>) -> (i32, i32) {
    %c0_i32 = arith.constant 0 : i32
    %c0_i32_0 = arith.constant 0 : i32
    %c0_i32_1 = arith.constant 0 : i32
    return %c0_i32, %c0_i32_0 : i32, i32
  }
  func.func @transform_18(%arg0: i32, %arg1: memref<81xi32, #tpu.memory_space<smem>>) -> (i32, i32) {
    %c0_i32 = arith.constant 0 : i32
    %c0_i32_0 = arith.constant 0 : i32
    %c0_i32_1 = arith.constant 0 : i32
    return %c0_i32, %c0_i32_0 : i32, i32
  }
  func.func @transform_19(%arg0: i32, %arg1: memref<81xi32, #tpu.memory_space<smem>>) -> (i32, i32) {
    %c0_i32 = arith.constant 0 : i32
    %c0_i32_0 = arith.constant 0 : i32
    %c0_i32_1 = arith.constant 0 : i32
    return %c0_i32, %c0_i32_0 : i32, i32
  }
  func.func @transform_23(%arg0: i32, %arg1: memref<81xi32, #tpu.memory_space<smem>>) -> (i32, i32) {
    %c0_i32 = arith.constant 0 : i32
    %c0_i32_0 = arith.constant 0 : i32
    return %c0_i32, %arg0 : i32, i32
  }
}

</mosaic_0001>

<sc_bundles>
// kernel: gather_offload_async_start.1
scs
__scs_entry_jumppad:
0x0: {  	(pc) =	sbr.rel $0x88, $3  }
0x1: {  	(tag) =	ssettag $0x0;
	lr =	simm.s32 $0x1  }
0x2: {  	[smem:$0x3F8D] =	sst lr;
	_ =	strace $0xD0000000  }
0x3: {  	_ = 	snop  }
0x4: {  	_ = 	snop  }
0x5: {  	_ = 	snop  }
0x6: {  	_ = 	snop  }
0x7: {  	_ = 	snop  }
__scs_overlays_trampoline_lowered:
0x8: {  	[smem:$0x3F9C] =	sst s0  }
0x9: {  	[smem:$0x3F9D] =	sst s1  }
0xa: {  	[smem:$0x3F9E] =	sst s2  }
0xb: {  	[smem:$0x3F9F] =	sst s3  }
0xc: {  	[smem:$0x3FA0] =	sst s4  }
0xd: {  	[smem:$0x3FA1] =	sst s5  }
0xe: {  	[smem:$0x3FA2] =	sst s6  }
0xf: {  	[smem:$0x3FA3] =	sst s7  }
0x10: {  	[smem:$0x3FA4] =	sst s8  }
0x11: {  	[smem:$0x3FA5] =	sst s9;
	s0 =	simm.s32 @!p0 $0x0  }
0x12: {  	s1 =	sld [smem:$0x3F8B];
	s0 =	simm.s32 @p0 $0x1  }
0x13: {  	[smem:$0x3FA6] =	sst s0;
	s0 =	simm.s32 @!p1 $0x0  }
0x14: {  	s2 =	sld [smem:$0x3F8A];
	s0 =	simm.s32 @p1 $0x1  }
0x15: {  	[smem:$0x3FA7] =	sst s0;
	s0 =	simm.s32 @!p2 $0x0  }
0x16: {  	s3 =	sld [smem:$0x3FDB];
	s0 =	simm.s32 @p2 $0x1  }
0x17: {  	s4 =	simm.s32 $0x1BF5;
	[smem:$0x3FA9] =	sst s0  }
0x18: {  	s0 =	sld [smem:$0x3F8C];
	_ =	swait.ge [sflag:s4], $0x0  }
0x19: {  	s7 =	sld [smem:$0x3F8D]  }
0x1a: {  	s8 =	sadd.s32 $0xFFFFE003, lr  }
0x1b: {  	s9 =	sadd.s32 $0xFFFFFEF7, lr;
	s5 =	simm.s32 $0xFFFFFFFF;
	p2 =	slt.u32 s8, $0xFFFFF086  }
0x1c: {  	p1 =	slt.u32 s9, $0xF7A;
	s5 =	simm.s32 @!p2 $0x0  }
0x1d: {  	s5 =	simm.s32 @p1 $0x1;
	p0 =	seq.s32 s7, s2  }
0x1e: {  	s7 =	smul.u32 @!p0 $0xF7A, s2;
	p2 =	seq.s32 @!p0 s5, $0x0  }
0x1f: {  	s9 =	smul.u32 $0xF7A, s1;
	s8 =	simm.s32 @!p0 $0x1BF5;
	p2 =	por !p2, p0  }
0x20: {  	[sflag:s8] =	ssyncset.s32 @!p0 $0xFFFFF086;
	s6 =	sadd.s32 @!p0 s3, s7;
	s7 =	simm.s32 @!p0 $0x108  }
0x21: {  	s3 =	sadd.s32 s3, s9;
	s6 =	sadd.s32 @!p0 $0x88, s6;
	s7 =	simm.s32 @p2 $0x1082  }
0x22: {  	[simem:s7], [sflag:s8] =	dma.local @!p0 [hbm:s6], $0xF7A  }
0x23: {  	s9 =	sor.u32 $0xD0000000, s2;
	s6 =	simm.s32 $0x108;
	_ =	swait.ge @!p0 [sflag:s8], $0x0  }
0x24: {  	s3 =	sadd.s32 $0x88, s3;
	s6 =	simm.s32 @!p1 $0x1082;
	[sflag:s4] =	ssyncset.s32 $0xFFFFF086  }
0x25: {  	[simem:s6], [sflag:s4] =	dma.local [hbm:s3], $0xF7A  }
0x26: {  	[smem:$0x3F8D] =	sst s1;
	(tag) =	ssettag s2;
	_ =	strace s9  }
0x27: {  	s1 =	sld [smem:$0x3F9D]  }
0x28: {  	s2 =	sld [smem:$0x3F9E]  }
0x29: {  	s4 =	sld [smem:$0x3FA0]  }
0x2a: {  	p0 =	seq.s32 s5, $0x0;
	s5 =	sld [smem:$0x3FA1]  }
0x2b: {  	s6 =	sld [smem:$0x3FA2]  }
0x2c: {  	s7 =	sld [smem:$0x3FA3]  }
0x2d: {  	s3 =	simm.s32 $0x108;
	s8 =	sld [smem:$0x3FA4]  }
0x2e: {  	s3 =	simm.s32 @!p0 $0x1082;
	s9 =	sld [smem:$0x3FA5]  }
0x2f: {  	lr =	sadd.s32 s0, s3;
	s0 =	sld [smem:$0x3F9C]  }
0x30: {  	s3 =	sld [smem:$0x3F9F]  }
0x31: {  	[smem:$0x3FA8] =	sst s10  }
0x32: {  	s10 =	sld [smem:$0x3FA6];
	_ =	sdelay $0x3  }
0x33: {  	p0 =	seq.s32 s10, $0x1;
	s10 =	sld [smem:$0x3FA8];
	_ =	sdelay $0x3  }
0x34: {  	[smem:$0x3FA8] =	sst s10  }
0x35: {  	s10 =	sld [smem:$0x3FA7];
	_ =	sdelay $0x3  }
0x36: {  	p1 =	seq.s32 s10, $0x1;
	s10 =	sld [smem:$0x3FA8];
	_ =	sdelay $0x3  }
0x37: {  	[smem:$0x3FA8] =	sst s10  }
0x38: {  	s10 =	sld [smem:$0x3FA9]  }
0x39: {  	_ = 	snop;
	(pc) =	sbr.ind lr, $3  }
0x3a: {  	_ = 	snop  }
0x3b: {  	_ = 	snop  }
0x3c: {  	p2 =	seq.s32 s10, $0x1;
	s10 =	sld [smem:$0x3FA8]  }
0x3d: {  	_ =	shalt  }
0x3e: {  	_ =	shalt  }
0x3f: {  	_ =	shalt  }
0x40: {  	_ =	shalt  }
0x41: {  	_ =	shalt  }
0x42: {  	_ =	shalt  }
0x43: {  	_ =	shalt  }
0x44: {  	_ =	shalt  }
0x45: {  	_ =	shalt  }
0x46: {  	_ =	shalt  }
0x47: {  	_ =	shalt  }
0x48: {  	_ =	shalt  }
0x49: {  	_ =	shalt  }
0x4a: {  	_ =	shalt  }
0x4b: {  	_ =	shalt  }
0x4c: {  	_ =	shalt  }
0x4d: {  	_ =	shalt  }
0x4e: {  	_ =	shalt  }
0x4f: {  	_ =	shalt  }
0x50: {  	_ =	shalt  }
0x51: {  	_ =	shalt  }
0x52: {  	_ =	shalt  }
0x53: {  	_ =	shalt  }
0x54: {  	_ =	shalt  }
0x55: {  	_ =	shalt  }
0x56: {  	_ =	shalt  }
0x57: {  	_ =	shalt  }
0x58: {  	_ =	shalt  }
0x59: {  	_ =	shalt  }
0x5a: {  	_ =	shalt  }
0x5b: {  	_ =	shalt  }
0x5c: {  	_ =	shalt  }
0x5d: {  	_ =	shalt  }
0x5e: {  	_ =	shalt  }
0x5f: {  	_ =	shalt  }
0x60: {  	_ =	shalt  }
0x61: {  	_ =	shalt  }
0x62: {  	_ =	shalt  }
0x63: {  	_ =	shalt  }
0x64: {  	_ =	shalt  }
0x65: {  	_ =	shalt  }
0x66: {  	_ =	shalt  }
0x67: {  	_ =	shalt  }
0x68: {  	_ =	shalt  }
0x69: {  	_ =	shalt  }
0x6a: {  	_ =	shalt  }
0x6b: {  	_ =	shalt  }
0x6c: {  	_ =	shalt  }
0x6d: {  	_ =	shalt  }
0x6e: {  	_ =	shalt  }
0x6f: {  	_ =	shalt  }
0x70: {  	_ =	shalt  }
0x71: {  	_ =	shalt  }
0x72: {  	_ =	shalt  }
0x73: {  	_ =	shalt  }
0x74: {  	_ =	shalt  }
0x75: {  	_ =	shalt  }
0x76: {  	_ =	shalt  }
0x77: {  	_ =	shalt  }
0x78: {  	_ =	shalt  }
0x79: {  	_ =	shalt  }
0x7a: {  	_ =	shalt  }
0x7b: {  	_ =	shalt  }
0x7c: {  	_ =	shalt  }
0x7d: {  	_ =	shalt  }
0x7e: {  	_ =	shalt  }
0x7f: {  	_ =	shalt  }
0x80: {  	_ =	shalt  }
0x81: {  	_ =	shalt  }
0x82: {  	_ =	shalt  }
0x83: {  	_ =	shalt  }
0x84: {  	_ =	shalt  }
0x85: {  	_ =	shalt  }
0x86: {  	_ =	shalt  }
0x87: {  	_ =	shalt  }
.Lfunc_end0:
.L_simem_size_0:
called_computation.1_lowered:
.L_overlay_start_0:
0x88: {  	s2 =	sld [smem:$0x3FD9]  }
0x89: {  	s3 =	sld [smem:$0x3FFE];
	_ =	sdelay $0x1  }
0x8a: {  	s1 =	srdreg.scid  }
0x8b: {  	s0 =	sand.u32 $0x1, s1  }
0x8c: {  	s16 =	sshll.u32 s0, $0xA;
	s2 =	sadd.s32 s3, s2  }
0x8d: {  	s2 =	sadd.s32 s2, s16  }
0x8e: {  	[smem:$0x3FB4] =	sst s2  }
0x8f: {  	_ = 	snop  }
0x90: {  	(tm) =	ssettm $0x1  }
0x91: {  	s17 =	sld [smem:$0x3FFB];
	_ =	sdelay $0x3  }
0x92: {  	_ =	strace s17  }
0x93: {  	s2 =	sld [smem:$0x3FFC];
	_ =	sdelay $0x3  }
0x94: {  	_ =	strace s2  }
0x95: {  	s2 =	sld [smem:$0x3FFD];
	_ =	sdelay $0x3  }
0x96: {  	_ =	strace s2  }
0x97: {  	_ =	strace $0x8FFFFFFF  }
0x98: {  	s18 =	sld [smem:$0x3FDB];
	_ =	sdelay $0x1  }
0x99: {  	s19 =	simm.s32 $_scs_section_size  }
0x9a: {  	s4 =	simm.s32 $_size__tile_overlayer_lowered;
	s5 =	simm.s32 $_tile_overlayer_lowered  }
0x9b: {  	s22 =	simm.s32 $0x1BFF;
	s21 =	sshll.u32 s5, $0x1;
	s2 =	sadd.s32 s19, s18  }
0x9c: {  	s6 =	simm.s32 $0x0;
	s20 =	sshll.u32 s4, $0x1;
	s4 =	sadd.s32 s21, s2  }
0x9d: {  	[timem:s6], [sflag:s22] =	dma.local [hbm:s4], s20  }
0x9e: {  	_ =	swait.ge [sflag:s22], s20  }
0x9f: {  	s3 =	ssub.s32 $0x0, s20;
	[sflag:s22] =	ssyncset.done $0x0  }
0xa0: {  	[sflag:s22] =	ssyncadd.s32 s3;
	_ =	sdelay $0x1  }
0xa1: {  	s23 =	simm.s32 $0x1B8B  }
0xa2: {  	_ =	swait.ge [sflag:s23], $0x1  }
0xa3: {  	[sflag:s23] =	ssyncset.done $0x0  }
0xa4: {  	s25 =	simm.s32 $0x1B8E;
	s24 =	sld [smem:$0x3FFE];
	[sflag:s23] =	ssyncadd.s32 $0xFFFFFFFF  }
0xa5: {  	s26 =	simm.s32 $execute0_lowered;
	[smem:$0x3FD2] =	sst s25  }
0xa6: {  	s4 =	sshll.u32 s26, $0x1;
	_ =	strace $0x80000046;
	[dreg:$0x1] =	wrdreg $0xFFFFFFFF  }
0xa7: {  	s28 =	simm.s32 $_size_execute0_lowered;
	s2 =	sadd.s32 s2, s4;
	[dreg:$0x0] =	wrdreg $0x0  }
0xa8: {  	s4 =	sshll.u32 s28, $0x1;
	[dreg:$0x2] =	wrdreg s2  }
0xa9: {  	[dreg:$0x3] =	wrdreg s4  }
0xaa: {  	[dreg:$0x4] =	wrdreg $0xC0  }
0xab: {  	_ =	task [dreg:s6], $0x5FFFF  }
0xac: {  	[dreg:$0x1] =	wrdreg $0xFFFFFFFF  }
0xad: {  	[dreg:$0x0] =	wrdreg $0x60  }
0xae: {  	[dreg:$0x2] =	wrdreg s24  }
0xaf: {  	[dreg:$0x3] =	wrdreg $0xA  }
0xb0: {  	_ =	task.clear_ibuf [dreg:s6], $0x4FFFF;
	_ =	strace $0x90000046  }
0xb1: {  	s29 =	simm.s32 $0xA;
	_ =	strace $0x80000048  }
0xb2: {  	_ =	swait.ge [sflag:s29], $0x1  }
0xb3: {  	[sflag:s29] =	ssyncadd.s32 $0xFFFFFFFF  }
0xb4: {  	_ =	strace $0x90000048  }
0xb5: {  	_ =	sfence  }
0xb6: {  	s30 =	sld [smem:$0x0];
	_ =	sdelay $0x2  }
0xb7: {  	s31 =	sshll.u32 s1, $0xD;
	s1 =	sshrl.u32 s1, $0x2  }
0xb8: {  	s3 =	sand.u32 $0x4000, s31;
	s1 =	sadd.s32 s1, s30  }
0xb9: {  	s0 =	sor.u32 s3, s0;
	s1 =	sshll.u32 s1, $0x11  }
0xba: {  	s0 =	sor.u32 s1, s0  }
0xbb: {  	s0 =	sadd.s32 $0x8F2B, s0  }
0xbc: {  	[sflag:s0] =	ssyncadd.remote.s32 $0x1  }
0xbd: {  	_ =	sfence.sel $0xFFFF  }
0xbe: {  	[dreg:$0x0] =	wrdreg $0xFFFFFFFF;
	(pc) =	sbr.abs _section_cstart, $3  }
0xbf: {  	[dreg:$0x1] =	wrdreg $0xFFFFFFFF  }
0xc0: {  	_ =	task.clear_ibuf [dreg:s6], $0x2FFFF;
	_ =	strace $0x9FFFFFFF  }
0xc1: {  	(tm) =	ssettm $0x7FFFFFFF  }
tec
execute0_lowered:
.L_overlay_start_1:
0x0: {  	(tag) =	ssettag $0x1  }
0x1: {  	s8 =	rddreg [dreg:$0x0]  }
0x2: {  	s0 =	rddreg [dreg:$0x1];
	_ =	strace $0x80000047;
	s1 =	stileid.u32  }
0x3: {  	s3 =	srdreg.scid;
	s4 =	simm.s32 $0x1;
	s7 =	simm.s32 $0x1  }
0x4: {  	s9 =	simm.s32 $0x1;
	s10 =	simm.s32 $0x3;
	s13 =	simm.s32 $0x0  }
0x5: {  	s12 =	simm.s32 $0x0;
	s5 =	sand.u32 $0x1, s3;
	s6 =	sshll.u32 s1, $0x1  }
0x6: {  	s2 =	sadd.s32 $0x2E00, s8;
	s3 =	sadd.s32 $0x16A00, s8;
	s5 =	sor.u32 s6, s5  }
.Ltmp0:
0x7: {  	[sflag:s4] =	ssyncpa.u1 $0x0;
	p0 =	slt.u32 s5, $0x9;
	(pc) =	sbr.rel .LBB2_1-.Ltmp0, $4  }
0x8: {  	s6 =	simm.s32 $0x2;
	s7 =	simm.s32 @!p0 $0x0;
	p0 =	sne.s32 s5, $0x8  }
0x9: {  	[sflag:s6] =	ssyncpa.u1 $0x0;
	s5 =	smul.u32 $0x1F40, s5;
	s9 =	simm.s32 @!p0 $0x0  }
0xa: {  	s8 =	sadd.s32 $0x56A00, s8;
	[sflag:s10] =	ssyncpa.u1 $0x0;
	s7 =	sadd.s32 s9, s7  }
0xb: {  	vm0 =	vmmov $0xffff;
	s10 =	simm.s32 $0x0;
	s11 =	smov.u32 s5;
	s9 =	sadd.s32 $0x1, s7  }
.LBB2_4:
0xc: {  	v2 =	vnsel vm1, $0x0, v2  }
0xd: {  	vm1 =	vgt.s32 v0, $0x0;
	v2 =	vmin.u32 v2, $0x4E1FF  }
0xe: {  	v0 =	vnsel vm1, $0x0, v0  }
0xf: {  	v0 =	vmin.u32 v0, $0x4E1FF  }
0x10: {  	[tilespmem:s18], [sflag:$0x1] =	stream.indirect_vreg.gather [hbm4b:s2+s10], $0x1, v1, vm0, $0x4038;
	[tilespmem:$0x7D00] =	vst v63  }
0x11: {  	(ifvalue) =	ssetifvalue $0x7FFFFFFF  }
0x12: {  	[tilespmem:s15], [sflag:$0x1] =	stream.indirect_vreg.gather [hbm4b:s2+s10], $0x1, v2, vm0, $0x4038;
	[tilespmem:$0x7D00] =	vst v63  }
0x13: {  	s29 =	sadd.s32 $0x10, s15;
	(ifvalue) =	ssetifvalue $0x7FFFFFFF  }
0x14: {  	[tilespmem:s29], [sflag:$0x1] =	stream.indirect_vreg.gather [hbm4b:s2+s10], $0x1, v0, vm0, $0x4038;
	[tilespmem:$0x7D00] =	vst v63  }
0x15: {  	_ =	swait.ge [sflag:s4], $0x1F40  }
0x16: {  	s30 =	sshrl.u32 s13, $0x3;
	[sflag:s4] =	ssyncset.done $0x0  }
0x17: {  	s31 =	sand.u32 $0x7, s13;
	s15 =	sadd.s32 s8, s30;
	[sflag:s4] =	ssyncadd.s32 $0xFFFFE0C0  }
0x18: {  	[hbm4b:s15+s31] =	stream.linear.scatter [tilespmem:s14], [sflag:$0x3], $0x1F40, $0x38;
	[tilespmem:$0x7D00] =	vst v63  }
.LBB2_5:
0x19: {  	s15 =	sadd.s32 $0x3E800, s11  }
0x1a: {  	p1 =	sgt.s32 s15, $0x4E1FF  }
0x1b: {  	s15 =	smov.u32 @p1 s5;
	p1 =	sne.s32 s12, s9  }
.Ltmp1:
0x1c: {  	p0 =	slt.u32 s12, $0x2;
	(pc) =	sbr.rel @!p1 .LBB2_6-.Ltmp1, $4  }
0x1d: {  	s14 =	simm.s32 @!p0 $0x3  }
0x1e: {  	_ =	swait.ge @!p0 [sflag:s14], $0x1F40  }
0x1f: {  	s16 =	sadd.s32 $0x1, s12;
	s13 =	smov.u32 s11;
	[sflag:s14] =	ssyncset.done @!p0 $0x0  }
0x20: {  	s12 =	smov.u32 s16;
	s11 =	smov.u32 s15;
	[sflag:s14] =	ssyncadd.s32 @!p0 $0xFFFFE0C0  }
.LBB2_1:
0x21: {  	p0 =	sge.u32 s12, s7  }
0x22: {  	s14 =	sxor.u32 @!p0 $0x1, s12  }
0x23: {  	s14 =	smul.u32 @!p0 $0x7D00, s14  }
0x24: {  	s31 =	sadd.s32 $0xFFFFFFFF, s12;
	s15 =	sshrl.u32 @!p0 s11, $0x3  }
0x25: {  	s16 =	sand.u32 @!p0 $0x7, s11;
	s15 =	sadd.s32 @!p0 s3, s15;
	s14 =	sshra.s32 @!p0 s14, $0x2  }
0x26: {  	[tilespmem:s14], [sflag:$0x2] =	stream.linear.gather @!p0 [hbm4b:s15+s16], $0x1F40, $0x38;
	[tilespmem:$0x7D00] =	vst v63  }
0x27: {  	p0 =	sge.u32 s31, s7  }
.Ltmp2:
0x28: {  	_ = 	snop;
	(pc) =	sbr.rel @p0 .LBB2_5-.Ltmp2, $1  }
0x29: {  	_ =	sdelay $0x3  }
0x2a: {  	s14 =	sand.u32 $0x1, s12  }
0x2b: {  	_ =	swait.ge [sflag:s6], $0x1F40;
	p0 =	seq.s32 s14, $0x1;
	s14 =	simm.s32 $0x1F40  }
0x2c: {  	[sflag:s6] =	ssyncset.done $0x0;
	s14 =	simm.s32 @!p0 $0x0  }
0x2d: {  	[sflag:s6] =	ssyncadd.s32 $0xFFFFE0C0;
	(ifvalue) =	ssetifvalue $0x7FFFFFFF;
	v0 =	vld.msk [tilespmem:s14+$0x0 ss:$0x1], $0xffff;
	_ =	sdelay $0x4  }
0x2e: {  	s15 =	sadd.s32 $0x10, s14;
	vm1 =	vgt.s32 v0, $0x0  }
0x2f: {  	v2 =	vld.msk [tilespmem:s15+$0x0 ss:$0x1], $0xffff;
	v1 =	vnsel vm1, $0x0, v0  }
0x30: {  	v1 =	vmin.u32 v1, $0x4E1FF;
	_ =	sdelay $0x2  }
0x31: {  	s17 =	simm.s32 $0x20;
	s14 =	sadd.s32 $0x3E80, s14;
	s16 =	sadd.s32 $0x10, s15  }
0x32: {  	s15 =	sadd.s32 $0x10, s14;
	s18 =	smov.u32 s14;
	v0 =	vld.msk [tilespmem:s16+$0x0 ss:$0x1], $0xffff;
	vm1 =	vgt.s32 v2, $0x0;
	(ifvalue) =	ssetifvalue $0x7FFFFFFF  }
.LBB2_3:
0x33: {  	[tilespmem:s18], [sflag:$0x1] =	stream.indirect_vreg.gather [hbm4b:s2+s10], $0x1, v1, vm0, $0x4038;
	[tilespmem:$0x7D00] =	vst v63  }
0x34: {  	s17 =	sadd.s32 $0x10, s17  }
0x35: {  	v2 =	vnsel vm1, $0x0, v2;
	p0 =	slt.u32 s17, $0x1F30  }
.Ltmp3:
0x36: {  	s18 =	smov.u32 s15;
	v1 =	vmin.u32 v2, $0x4E1FF;
	(pc) =	sbr.rel @p0 .LBB2_3-.Ltmp3, $3  }
0x37: {  	_ =	sdelay $0x1  }
0x38: {  	s16 =	sadd.s32 $0x10, s16  }
0x39: {  	vm1 =	vgt.s32 v0, $0x0;
	s15 =	sadd.s32 $0x10, s15;
	v2 =	vmov v0;
	(ifvalue) =	ssetifvalue $0x7FFFFFFF;
	v0 =	vld.msk [tilespmem:s16+$0x0 ss:$0x1], $0xffff  }
.Ltmp4:
0x3a: {  	_ = 	snop;
	(pc) =	sbr.rel .LBB2_4-.Ltmp4, $1  }
0x3b: {  	_ =	sdelay $0x3  }
.LBB2_6:
0x3c: {  	_ =	sfence.sel $0x180000  }
0x3d: {  	s2 =	simm.s32 $0x2;
	[bflag:$0x0] =	sbarrier.arrive $0xFFFF  }
0x3e: {  	s30 =	simm.s32 $0x3;
	[sflag:s2] =	ssyncpa.u1 $0x1  }
0x3f: {  	s31 =	simm.s32 $0x1;
	[sflag:s30] =	ssyncpa.u1 $0x1  }
0x40: {  	[sflag:s31] =	ssyncpa.u1 $0x1  }
0x41: {  	p0 =	sne.s32 s1, $0x0;
	_ =	strace $0x90000047  }
0x42: {  	s0 =	sadd.s32 @!p0 $0x100000, s0;
	[bflag:$0x2] =	sbarrier.arrive $0xFFFF  }
0x43: {  	[sflag:s0] =	ssyncadd.tile.s32 @!p0 $0x1;
	_ =	shalt  }
.Lfunc_end2:
_tile_overlayer_lowered:
.L_overlay_start_2:
0x44: {  	(tag) =	ssettag $0x2  }
0x45: {  	s0 =	rddreg [dreg:$0x0];
	s2 =	stileid.u32  }
0x46: {  	s1 =	rddreg [dreg:$0x1];
	p0 =	sne.s32 s2, $0x0  }
0x47: {  	s3 =	rddreg [dreg:$0x2];
	[bflag:$0x3] =	sbarrier.arrive $0xFFFF;
	s2 =	simm.s32 @!p0 $0x1C01  }
0x48: {  	[timem:s3], [sflag:s2] =	dma.local @!p0 [hbm:s0], s1  }
0x49: {  	s0 =	simm.s32 @!p0 $0x1  }
0x4a: {  	_ =	swait.ge @!p0 [sflag:s0], s1  }
0x4b: {  	s1 =	ssub.s32 @!p0 $0x0, s1;
	[sflag:s0] =	ssyncset.done @!p0 $0x0  }
0x4c: {  	[sflag:s0] =	ssyncadd.s32 @!p0 s1  }
0x4d: {  	[bflag:$0x3] =	sbarrier.arrive $0xFFFF  }
0x4e: {  	_ =	shalt  }

// kernel: gather_offload_async_start
scs
__scs_entry_jumppad:
0x0: {  	(pc) =	sbr.rel $0x88, $3  }
0x1: {  	(tag) =	ssettag $0x0;
	lr =	simm.s32 $0x1  }
0x2: {  	[smem:$0x3F8D] =	sst lr;
	_ =	strace $0xD0000000  }
0x3: {  	_ = 	snop  }
0x4: {  	_ = 	snop  }
0x5: {  	_ = 	snop  }
0x6: {  	_ = 	snop  }
0x7: {  	_ = 	snop  }
__scs_overlays_trampoline_lowered:
0x8: {  	[smem:$0x3F9C] =	sst s0  }
0x9: {  	[smem:$0x3F9D] =	sst s1  }
0xa: {  	[smem:$0x3F9E] =	sst s2  }
0xb: {  	[smem:$0x3F9F] =	sst s3  }
0xc: {  	[smem:$0x3FA0] =	sst s4  }
0xd: {  	[smem:$0x3FA1] =	sst s5  }
0xe: {  	[smem:$0x3FA2] =	sst s6  }
0xf: {  	[smem:$0x3FA3] =	sst s7  }
0x10: {  	[smem:$0x3FA4] =	sst s8  }
0x11: {  	[smem:$0x3FA5] =	sst s9;
	s0 =	simm.s32 @!p0 $0x0  }
0x12: {  	s1 =	sld [smem:$0x3F8B];
	s0 =	simm.s32 @p0 $0x1  }
0x13: {  	[smem:$0x3FA6] =	sst s0;
	s0 =	simm.s32 @!p1 $0x0  }
0x14: {  	s2 =	sld [smem:$0x3F8A];
	s0 =	simm.s32 @p1 $0x1  }
0x15: {  	[smem:$0x3FA7] =	sst s0;
	s0 =	simm.s32 @!p2 $0x0  }
0x16: {  	s3 =	sld [smem:$0x3FDB];
	s0 =	simm.s32 @p2 $0x1  }
0x17: {  	s4 =	simm.s32 $0x1BF5;
	[smem:$0x3FA9] =	sst s0  }
0x18: {  	s0 =	sld [smem:$0x3F8C];
	_ =	swait.ge [sflag:s4], $0x0  }
0x19: {  	s7 =	sld [smem:$0x3F8D]  }
0x1a: {  	s8 =	sadd.s32 $0xFFFFE003, lr  }
0x1b: {  	s9 =	sadd.s32 $0xFFFFFEF7, lr;
	s5 =	simm.s32 $0xFFFFFFFF;
	p2 =	slt.u32 s8, $0xFFFFF086  }
0x1c: {  	p1 =	slt.u32 s9, $0xF7A;
	s5 =	simm.s32 @!p2 $0x0  }
0x1d: {  	s5 =	simm.s32 @p1 $0x1;
	p0 =	seq.s32 s7, s2  }
0x1e: {  	s7 =	smul.u32 @!p0 $0xF7A, s2;
	p2 =	seq.s32 @!p0 s5, $0x0  }
0x1f: {  	s9 =	smul.u32 $0xF7A, s1;
	s8 =	simm.s32 @!p0 $0x1BF5;
	p2 =	por !p2, p0  }
0x20: {  	[sflag:s8] =	ssyncset.s32 @!p0 $0xFFFFF086;
	s6 =	sadd.s32 @!p0 s3, s7;
	s7 =	simm.s32 @!p0 $0x108  }
0x21: {  	s3 =	sadd.s32 s3, s9;
	s6 =	sadd.s32 @!p0 $0x88, s6;
	s7 =	simm.s32 @p2 $0x1082  }
0x22: {  	[simem:s7], [sflag:s8] =	dma.local @!p0 [hbm:s6], $0xF7A  }
0x23: {  	s9 =	sor.u32 $0xD0000000, s2;
	s6 =	simm.s32 $0x108;
	_ =	swait.ge @!p0 [sflag:s8], $0x0  }
0x24: {  	s3 =	sadd.s32 $0x88, s3;
	s6 =	simm.s32 @!p1 $0x1082;
	[sflag:s4] =	ssyncset.s32 $0xFFFFF086  }
0x25: {  	[simem:s6], [sflag:s4] =	dma.local [hbm:s3], $0xF7A  }
0x26: {  	[smem:$0x3F8D] =	sst s1;
	(tag) =	ssettag s2;
	_ =	strace s9  }
0x27: {  	s1 =	sld [smem:$0x3F9D]  }
0x28: {  	s2 =	sld [smem:$0x3F9E]  }
0x29: {  	s4 =	sld [smem:$0x3FA0]  }
0x2a: {  	p0 =	seq.s32 s5, $0x0;
	s5 =	sld [smem:$0x3FA1]  }
0x2b: {  	s6 =	sld [smem:$0x3FA2]  }
0x2c: {  	s7 =	sld [smem:$0x3FA3]  }
0x2d: {  	s3 =	simm.s32 $0x108;
	s8 =	sld [smem:$0x3FA4]  }
0x2e: {  	s3 =	simm.s32 @!p0 $0x1082;
	s9 =	sld [smem:$0x3FA5]  }
0x2f: {  	lr =	sadd.s32 s0, s3;
	s0 =	sld [smem:$0x3F9C]  }
0x30: {  	s3 =	sld [smem:$0x3F9F]  }
0x31: {  	[smem:$0x3FA8] =	sst s10  }
0x32: {  	s10 =	sld [smem:$0x3FA6];
	_ =	sdelay $0x3  }
0x33: {  	p0 =	seq.s32 s10, $0x1;
	s10 =	sld [smem:$0x3FA8];
	_ =	sdelay $0x3  }
0x34: {  	[smem:$0x3FA8] =	sst s10  }
0x35: {  	s10 =	sld [smem:$0x3FA7];
	_ =	sdelay $0x3  }
0x36: {  	p1 =	seq.s32 s10, $0x1;
	s10 =	sld [smem:$0x3FA8];
	_ =	sdelay $0x3  }
0x37: {  	[smem:$0x3FA8] =	sst s10  }
0x38: {  	s10 =	sld [smem:$0x3FA9]  }
0x39: {  	_ = 	snop;
	(pc) =	sbr.ind lr, $3  }
0x3a: {  	_ = 	snop  }
0x3b: {  	_ = 	snop  }
0x3c: {  	p2 =	seq.s32 s10, $0x1;
	s10 =	sld [smem:$0x3FA8]  }
0x3d: {  	_ =	shalt  }
0x3e: {  	_ =	shalt  }
0x3f: {  	_ =	shalt  }
0x40: {  	_ =	shalt  }
0x41: {  	_ =	shalt  }
0x42: {  	_ =	shalt  }
0x43: {  	_ =	shalt  }
0x44: {  	_ =	shalt  }
0x45: {  	_ =	shalt  }
0x46: {  	_ =	shalt  }
0x47: {  	_ =	shalt  }
0x48: {  	_ =	shalt  }
0x49: {  	_ =	shalt  }
0x4a: {  	_ =	shalt  }
0x4b: {  	_ =	shalt  }
0x4c: {  	_ =	shalt  }
0x4d: {  	_ =	shalt  }
0x4e: {  	_ =	shalt  }
0x4f: {  	_ =	shalt  }
0x50: {  	_ =	shalt  }
0x51: {  	_ =	shalt  }
0x52: {  	_ =	shalt  }
0x53: {  	_ =	shalt  }
0x54: {  	_ =	shalt  }
0x55: {  	_ =	shalt  }
0x56: {  	_ =	shalt  }
0x57: {  	_ =	shalt  }
0x58: {  	_ =	shalt  }
0x59: {  	_ =	shalt  }
0x5a: {  	_ =	shalt  }
0x5b: {  	_ =	shalt  }
0x5c: {  	_ =	shalt  }
0x5d: {  	_ =	shalt  }
0x5e: {  	_ =	shalt  }
0x5f: {  	_ =	shalt  }
0x60: {  	_ =	shalt  }
0x61: {  	_ =	shalt  }
0x62: {  	_ =	shalt  }
0x63: {  	_ =	shalt  }
0x64: {  	_ =	shalt  }
0x65: {  	_ =	shalt  }
0x66: {  	_ =	shalt  }
0x67: {  	_ =	shalt  }
0x68: {  	_ =	shalt  }
0x69: {  	_ =	shalt  }
0x6a: {  	_ =	shalt  }
0x6b: {  	_ =	shalt  }
0x6c: {  	_ =	shalt  }
0x6d: {  	_ =	shalt  }
0x6e: {  	_ =	shalt  }
0x6f: {  	_ =	shalt  }
0x70: {  	_ =	shalt  }
0x71: {  	_ =	shalt  }
0x72: {  	_ =	shalt  }
0x73: {  	_ =	shalt  }
0x74: {  	_ =	shalt  }
0x75: {  	_ =	shalt  }
0x76: {  	_ =	shalt  }
0x77: {  	_ =	shalt  }
0x78: {  	_ =	shalt  }
0x79: {  	_ =	shalt  }
0x7a: {  	_ =	shalt  }
0x7b: {  	_ =	shalt  }
0x7c: {  	_ =	shalt  }
0x7d: {  	_ =	shalt  }
0x7e: {  	_ =	shalt  }
0x7f: {  	_ =	shalt  }
0x80: {  	_ =	shalt  }
0x81: {  	_ =	shalt  }
0x82: {  	_ =	shalt  }
0x83: {  	_ =	shalt  }
0x84: {  	_ =	shalt  }
0x85: {  	_ =	shalt  }
0x86: {  	_ =	shalt  }
0x87: {  	_ =	shalt  }
.Lfunc_end0:
.L_simem_size_0:
called_computation_lowered:
.L_overlay_start_0:
0x88: {  	s2 =	sld [smem:$0x3FD9]  }
0x89: {  	s3 =	sld [smem:$0x3FFE];
	_ =	sdelay $0x1  }
0x8a: {  	s1 =	srdreg.scid  }
0x8b: {  	s0 =	sand.u32 $0x1, s1  }
0x8c: {  	s17 =	sshll.u32 s0, $0xA;
	s2 =	sadd.s32 s3, s2  }
0x8d: {  	s2 =	sadd.s32 s2, s17  }
0x8e: {  	[smem:$0x3FB4] =	sst s2  }
0x8f: {  	_ = 	snop  }
0x90: {  	(tm) =	ssettm $0x1  }
0x91: {  	s18 =	sld [smem:$0x3FFB];
	_ =	sdelay $0x3  }
0x92: {  	_ =	strace s18  }
0x93: {  	s2 =	sld [smem:$0x3FFC];
	_ =	sdelay $0x3  }
0x94: {  	_ =	strace s2  }
0x95: {  	s2 =	sld [smem:$0x3FFD];
	_ =	sdelay $0x3  }
0x96: {  	_ =	strace s2  }
0x97: {  	_ =	strace $0x8FFFFFFF  }
0x98: {  	s19 =	sld [smem:$0x3FDB];
	_ =	sdelay $0x1  }
0x99: {  	s20 =	simm.s32 $_scs_section_size  }
0x9a: {  	s4 =	simm.s32 $_size__tile_overlayer_lowered;
	s5 =	simm.s32 $_tile_overlayer_lowered  }
0x9b: {  	s6 =	simm.s32 $0x1BFF;
	s21 =	sshll.u32 s5, $0x1;
	s3 =	sadd.s32 s20, s19  }
0x9c: {  	s22 =	simm.s32 $0x0;
	s4 =	sshll.u32 s4, $0x1;
	s5 =	sadd.s32 s21, s3  }
0x9d: {  	[timem:s22], [sflag:s6] =	dma.local [hbm:s5], s4  }
0x9e: {  	_ =	swait.ge [sflag:s6], s4  }
0x9f: {  	s4 =	ssub.s32 $0x0, s4;
	[sflag:s6] =	ssyncset.done $0x0  }
0xa0: {  	[sflag:s6] =	ssyncadd.s32 s4;
	_ =	sdelay $0x1  }
0xa1: {  	s23 =	simm.s32 $0x1B8B  }
0xa2: {  	_ =	swait.ge [sflag:s23], $0x1  }
0xa3: {  	[sflag:s23] =	ssyncset.done $0x0  }
0xa4: {  	[sflag:s23] =	ssyncadd.s32 $0xFFFFFFFF  }
0xa5: {  	s4 =	sld [smem:$0x0]  }
0xa6: {  	s5 =	sand.u32 $0xFFFFFFFE, s1  }
0xa7: {  	p0 =	sne.s32 s1, s5  }
0xa8: {  	s5 =	sshll.u32 @p0 s5, $0xE  }
0xa9: {  	s5 =	sadd.s32 @p0 $0x11B8D, s5;
	s6 =	sshll.u32 @p0 s4, $0x11  }
0xaa: {  	s5 =	sor.u32 @p0 s6, s5  }
0xab: {  	[sflag:s5] =	ssyncadd.remote.s32 @p0 $0x1;
	_ =	sdelay $0x1  }
0xac: {  	s5 =	simm.s32 @p0 $0x1B8D  }
0xad: {  	_ =	swait.eq @p0 [sflag:s5], $0x1  }
0xae: {  	[sflag:s5] =	ssyncadd.s32 @p0 $0xFFFFFFFF  }
0xaf: {  	s6 =	sshll.u32 @!p0 s1, $0xE  }
0xb0: {  	s6 =	sor.u32 @!p0 $0x4000, s6;
	s5 =	simm.s32 @!p0 $0x1B8D  }
0xb1: {  	s4 =	sshll.u32 @!p0 s4, $0x11;
	s6 =	sadd.s32 @!p0 $0x11B8D, s6;
	_ =	swait.eq @!p0 [sflag:s5], $0x1  }
0xb2: {  	s4 =	sor.u32 @!p0 s4, s6;
	[sflag:s5] =	ssyncadd.s32 @!p0 $0xFFFFFFFF  }
0xb3: {  	s25 =	simm.s32 $0x1B8E;
	s24 =	sld [smem:$0x3FFE];
	[sflag:s4] =	ssyncadd.remote.s32 @!p0 $0x1  }
0xb4: {  	s26 =	simm.s32 $execute0_lowered;
	[smem:$0x3FD2] =	sst s25  }
0xb5: {  	s5 =	sshll.u32 s26, $0x1;
	_ =	strace $0x80000049;
	[dreg:$0x1] =	wrdreg $0xFFFFFFFF  }
0xb6: {  	s28 =	simm.s32 $_size_execute0_lowered;
	s3 =	sadd.s32 s3, s5;
	[dreg:$0x0] =	wrdreg $0x0  }
0xb7: {  	s5 =	sshll.u32 s28, $0x1;
	[dreg:$0x2] =	wrdreg s3  }
0xb8: {  	[dreg:$0x3] =	wrdreg s5  }
0xb9: {  	[dreg:$0x4] =	wrdreg $0xC0  }
0xba: {  	_ =	task [dreg:s22], $0x5FFFF  }
0xbb: {  	[dreg:$0x1] =	wrdreg $0xFFFFFFFF  }
0xbc: {  	[dreg:$0x0] =	wrdreg $0x60  }
0xbd: {  	[dreg:$0x2] =	wrdreg s24  }
0xbe: {  	[dreg:$0x3] =	wrdreg $0x9  }
0xbf: {  	_ =	task.clear_ibuf [dreg:s22], $0x4FFFF;
	_ =	strace $0x90000049  }
0xc0: {  	s29 =	simm.s32 $0x9;
	_ =	strace $0x8000004B  }
0xc1: {  	_ =	swait.ge [sflag:s29], $0x1  }
0xc2: {  	[sflag:s29] =	ssyncadd.s32 $0xFFFFFFFF  }
0xc3: {  	_ =	strace $0x9000004B  }
0xc4: {  	_ =	sfence  }
0xc5: {  	s30 =	sld [smem:$0x0];
	_ =	sdelay $0x2  }
0xc6: {  	s31 =	sshll.u32 s1, $0xD;
	s1 =	sshrl.u32 s1, $0x2  }
0xc7: {  	s4 =	sand.u32 $0x4000, s31;
	s1 =	sadd.s32 s1, s30  }
0xc8: {  	s0 =	sor.u32 s4, s0;
	s1 =	sshll.u32 s1, $0x11  }
0xc9: {  	s0 =	sor.u32 s1, s0  }
0xca: {  	s0 =	sadd.s32 $0x8F2B, s0  }
0xcb: {  	[sflag:s0] =	ssyncadd.remote.s32 $0x1  }
0xcc: {  	_ =	sfence.sel $0xFFFF  }
0xcd: {  	[dreg:$0x0] =	wrdreg $0xFFFFFFFF;
	(pc) =	sbr.abs _section_cstart, $3  }
0xce: {  	[dreg:$0x1] =	wrdreg $0xFFFFFFFF  }
0xcf: {  	_ =	task.clear_ibuf [dreg:s22], $0x2FFFF;
	_ =	strace $0x9FFFFFFF  }
0xd0: {  	(tm) =	ssettm $0x7FFFFFFF  }
0xd1: {  	_ =	shalt  }
tec
execute0_lowered:
.L_overlay_start_1:
0x0: {  	(tag) =	ssettag $0x1  }
0x1: {  	s8 =	rddreg [dreg:$0x0]  }
0x2: {  	s0 =	rddreg [dreg:$0x1];
	_ =	strace $0x8000004A;
	s1 =	stileid.u32  }
0x3: {  	s3 =	srdreg.scid;
	s4 =	simm.s32 $0x1;
	s7 =	simm.s32 $0x1  }
0x4: {  	s9 =	simm.s32 $0x1;
	s10 =	simm.s32 $0x3;
	s13 =	simm.s32 $0x0  }
0x5: {  	s12 =	simm.s32 $0x0;
	s5 =	sand.u32 $0x1, s3;
	s6 =	sshll.u32 s1, $0x1  }
0x6: {  	s2 =	sadd.s32 $0xCC00, s8;
	s3 =	sadd.s32 $0x16A00, s8;
	s5 =	sor.u32 s6, s5  }
.Ltmp0:
0x7: {  	[sflag:s4] =	ssyncpa.u1 $0x0;
	p0 =	slt.u32 s5, $0x9;
	(pc) =	sbr.rel .LBB2_1-.Ltmp0, $4  }
0x8: {  	s6 =	simm.s32 $0x2;
	s7 =	simm.s32 @!p0 $0x0;
	p0 =	sne.s32 s5, $0x8  }
0x9: {  	[sflag:s6] =	ssyncpa.u1 $0x0;
	s5 =	smul.u32 $0x1F40, s5;
	s9 =	simm.s32 @!p0 $0x0  }
0xa: {  	s8 =	sadd.s32 $0x2F600, s8;
	[sflag:s10] =	ssyncpa.u1 $0x0;
	s7 =	sadd.s32 s9, s7  }
0xb: {  	vm0 =	vmmov $0xffff;
	s10 =	simm.s32 $0x0;
	s11 =	smov.u32 s5;
	s9 =	sadd.s32 $0x1, s7  }
.LBB2_4:
0xc: {  	v2 =	vnsel vm1, $0x0, v2  }
0xd: {  	vm1 =	vgt.s32 v0, $0x0;
	v2 =	vmin.u32 v2, $0x4E1FF  }
0xe: {  	v0 =	vnsel vm1, $0x0, v0  }
0xf: {  	v0 =	vmin.u32 v0, $0x4E1FF  }
0x10: {  	[tilespmem:s18], [sflag:$0x1] =	stream.indirect_vreg.gather [hbm4b:s2+s10], $0x1, v1, vm0, $0x4038;
	[tilespmem:$0x7D00] =	vst v63  }
0x11: {  	(ifvalue) =	ssetifvalue $0x7FFFFFFF  }
0x12: {  	[tilespmem:s15], [sflag:$0x1] =	stream.indirect_vreg.gather [hbm4b:s2+s10], $0x1, v2, vm0, $0x4038;
	[tilespmem:$0x7D00] =	vst v63  }
0x13: {  	s29 =	sadd.s32 $0x10, s15;
	(ifvalue) =	ssetifvalue $0x7FFFFFFF  }
0x14: {  	[tilespmem:s29], [sflag:$0x1] =	stream.indirect_vreg.gather [hbm4b:s2+s10], $0x1, v0, vm0, $0x4038;
	[tilespmem:$0x7D00] =	vst v63  }
0x15: {  	_ =	swait.ge [sflag:s4], $0x1F40  }
0x16: {  	s30 =	sshrl.u32 s13, $0x3;
	[sflag:s4] =	ssyncset.done $0x0  }
0x17: {  	s31 =	sand.u32 $0x7, s13;
	s15 =	sadd.s32 s8, s30;
	[sflag:s4] =	ssyncadd.s32 $0xFFFFE0C0  }
0x18: {  	[hbm4b:s15+s31] =	stream.linear.scatter [tilespmem:s14], [sflag:$0x3], $0x1F40, $0x38;
	[tilespmem:$0x7D00] =	vst v63  }
.LBB2_5:
0x19: {  	s15 =	sadd.s32 $0x3E800, s11  }
0x1a: {  	p1 =	sgt.s32 s15, $0x4E1FF  }
0x1b: {  	s15 =	smov.u32 @p1 s5;
	p1 =	sne.s32 s12, s9  }
.Ltmp1:
0x1c: {  	p0 =	slt.u32 s12, $0x2;
	(pc) =	sbr.rel @!p1 .LBB2_6-.Ltmp1, $4  }
0x1d: {  	s14 =	simm.s32 @!p0 $0x3  }
0x1e: {  	_ =	swait.ge @!p0 [sflag:s14], $0x1F40  }
0x1f: {  	s16 =	sadd.s32 $0x1, s12;
	s13 =	smov.u32 s11;
	[sflag:s14] =	ssyncset.done @!p0 $0x0  }
0x20: {  	s12 =	smov.u32 s16;
	s11 =	smov.u32 s15;
	[sflag:s14] =	ssyncadd.s32 @!p0 $0xFFFFE0C0  }
.LBB2_1:
0x21: {  	p0 =	sge.u32 s12, s7  }
0x22: {  	s14 =	sxor.u32 @!p0 $0x1, s12  }
0x23: {  	s14 =	smul.u32 @!p0 $0x7D00, s14  }
0x24: {  	s31 =	sadd.s32 $0xFFFFFFFF, s12;
	s15 =	sshrl.u32 @!p0 s11, $0x3  }
0x25: {  	s16 =	sand.u32 @!p0 $0x7, s11;
	s15 =	sadd.s32 @!p0 s3, s15;
	s14 =	sshra.s32 @!p0 s14, $0x2  }
0x26: {  	[tilespmem:s14], [sflag:$0x2] =	stream.linear.gather @!p0 [hbm4b:s15+s16], $0x1F40, $0x38;
	[tilespmem:$0x7D00] =	vst v63  }
0x27: {  	p0 =	sge.u32 s31, s7  }
.Ltmp2:
0x28: {  	_ = 	snop;
	(pc) =	sbr.rel @p0 .LBB2_5-.Ltmp2, $1  }
0x29: {  	_ =	sdelay $0x3  }
0x2a: {  	s14 =	sand.u32 $0x1, s12  }
0x2b: {  	_ =	swait.ge [sflag:s6], $0x1F40;
	p0 =	seq.s32 s14, $0x1;
	s14 =	simm.s32 $0x1F40  }
0x2c: {  	[sflag:s6] =	ssyncset.done $0x0;
	s14 =	simm.s32 @!p0 $0x0  }
0x2d: {  	[sflag:s6] =	ssyncadd.s32 $0xFFFFE0C0;
	(ifvalue) =	ssetifvalue $0x7FFFFFFF;
	v0 =	vld.msk [tilespmem:s14+$0x0 ss:$0x1], $0xffff;
	_ =	sdelay $0x4  }
0x2e: {  	s15 =	sadd.s32 $0x10, s14;
	vm1 =	vgt.s32 v0, $0x0  }
0x2f: {  	v2 =	vld.msk [tilespmem:s15+$0x0 ss:$0x1], $0xffff;
	v1 =	vnsel vm1, $0x0, v0  }
0x30: {  	v1 =	vmin.u32 v1, $0x4E1FF;
	_ =	sdelay $0x2  }
0x31: {  	s17 =	simm.s32 $0x20;
	s14 =	sadd.s32 $0x3E80, s14;
	s16 =	sadd.s32 $0x10, s15  }
0x32: {  	s15 =	sadd.s32 $0x10, s14;
	s18 =	smov.u32 s14;
	v0 =	vld.msk [tilespmem:s16+$0x0 ss:$0x1], $0xffff;
	vm1 =	vgt.s32 v2, $0x0;
	(ifvalue) =	ssetifvalue $0x7FFFFFFF  }
.LBB2_3:
0x33: {  	[tilespmem:s18], [sflag:$0x1] =	stream.indirect_vreg.gather [hbm4b:s2+s10], $0x1, v1, vm0, $0x4038;
	[tilespmem:$0x7D00] =	vst v63  }
0x34: {  	s17 =	sadd.s32 $0x10, s17  }
0x35: {  	v2 =	vnsel vm1, $0x0, v2;
	p0 =	slt.u32 s17, $0x1F30  }
.Ltmp3:
0x36: {  	s18 =	smov.u32 s15;
	v1 =	vmin.u32 v2, $0x4E1FF;
	(pc) =	sbr.rel @p0 .LBB2_3-.Ltmp3, $3  }
0x37: {  	_ =	sdelay $0x1  }
0x38: {  	s16 =	sadd.s32 $0x10, s16  }
0x39: {  	vm1 =	vgt.s32 v0, $0x0;
	s15 =	sadd.s32 $0x10, s15;
	v2 =	vmov v0;
	(ifvalue) =	ssetifvalue $0x7FFFFFFF;
	v0 =	vld.msk [tilespmem:s16+$0x0 ss:$0x1], $0xffff  }
.Ltmp4:
0x3a: {  	_ = 	snop;
	(pc) =	sbr.rel .LBB2_4-.Ltmp4, $1  }
0x3b: {  	_ =	sdelay $0x3  }
.LBB2_6:
0x3c: {  	_ =	sfence.sel $0x180000  }
0x3d: {  	s2 =	simm.s32 $0x2;
	[bflag:$0x0] =	sbarrier.arrive $0xFFFF  }
0x3e: {  	s30 =	simm.s32 $0x3;
	[sflag:s2] =	ssyncpa.u1 $0x1  }
0x3f: {  	s31 =	simm.s32 $0x1;
	[sflag:s30] =	ssyncpa.u1 $0x1  }
0x40: {  	[sflag:s31] =	ssyncpa.u1 $0x1  }
0x41: {  	p0 =	sne.s32 s1, $0x0;
	_ =	strace $0x9000004A  }
0x42: {  	s0 =	sadd.s32 @!p0 $0x100000, s0;
	[bflag:$0x2] =	sbarrier.arrive $0xFFFF  }
0x43: {  	[sflag:s0] =	ssyncadd.tile.s32 @!p0 $0x1;
	_ =	shalt  }
.Lfunc_end2:
_tile_overlayer_lowered:
.L_overlay_start_2:
0x44: {  	(tag) =	ssettag $0x2  }
0x45: {  	s0 =	rddreg [dreg:$0x0];
	s2 =	stileid.u32  }
0x46: {  	s1 =	rddreg [dreg:$0x1];
	p0 =	sne.s32 s2, $0x0  }
0x47: {  	s3 =	rddreg [dreg:$0x2];
	[bflag:$0x3] =	sbarrier.arrive $0xFFFF;
	s2 =	simm.s32 @!p0 $0x1C01  }
0x48: {  	[timem:s3], [sflag:s2] =	dma.local @!p0 [hbm:s0], s1  }
0x49: {  	s0 =	simm.s32 @!p0 $0x1  }
0x4a: {  	_ =	swait.ge @!p0 [sflag:s0], s1  }
0x4b: {  	s1 =	ssub.s32 @!p0 $0x0, s1;
	[sflag:s0] =	ssyncset.done @!p0 $0x0  }
0x4c: {  	[sflag:s0] =	ssyncadd.s32 @!p0 s1  }
0x4d: {  	[bflag:$0x3] =	sbarrier.arrive $0xFFFF  }
0x4e: {  	_ =	shalt  }

// kernel: kernel.4.cloned.1.call-start
scs
__scs_entry_jumppad:
0x0: {  	(pc) =	sbr.rel $0x88, $3  }
0x1: {  	(tag) =	ssettag $0x0;
	lr =	simm.s32 $0x1  }
0x2: {  	[smem:$0x3F8D] =	sst lr;
	_ =	strace $0xD0000000  }
0x3: {  	_ = 	snop  }
0x4: {  	_ = 	snop  }
0x5: {  	_ = 	snop  }
0x6: {  	_ = 	snop  }
0x7: {  	_ = 	snop  }
__scs_overlays_trampoline_lowered:
0x8: {  	[smem:$0x3F9C] =	sst s0  }
0x9: {  	[smem:$0x3F9D] =	sst s1  }
0xa: {  	[smem:$0x3F9E] =	sst s2  }
0xb: {  	[smem:$0x3F9F] =	sst s3  }
0xc: {  	[smem:$0x3FA0] =	sst s4  }
0xd: {  	[smem:$0x3FA1] =	sst s5  }
0xe: {  	[smem:$0x3FA2] =	sst s6  }
0xf: {  	[smem:$0x3FA3] =	sst s7  }
0x10: {  	[smem:$0x3FA4] =	sst s8  }
0x11: {  	[smem:$0x3FA5] =	sst s9;
	s0 =	simm.s32 @!p0 $0x0  }
0x12: {  	s1 =	sld [smem:$0x3F8B];
	s0 =	simm.s32 @p0 $0x1  }
0x13: {  	[smem:$0x3FA6] =	sst s0;
	s0 =	simm.s32 @!p1 $0x0  }
0x14: {  	s2 =	sld [smem:$0x3F8A];
	s0 =	simm.s32 @p1 $0x1  }
0x15: {  	[smem:$0x3FA7] =	sst s0;
	s0 =	simm.s32 @!p2 $0x0  }
0x16: {  	s3 =	sld [smem:$0x3FDB];
	s0 =	simm.s32 @p2 $0x1  }
0x17: {  	s4 =	simm.s32 $0x1BF5;
	[smem:$0x3FA9] =	sst s0  }
0x18: {  	s0 =	sld [smem:$0x3F8C];
	_ =	swait.ge [sflag:s4], $0x0  }
0x19: {  	s7 =	sld [smem:$0x3F8D]  }
0x1a: {  	s8 =	sadd.s32 $0xFFFFE003, lr  }
0x1b: {  	s9 =	sadd.s32 $0xFFFFFEF7, lr;
	s5 =	simm.s32 $0xFFFFFFFF;
	p2 =	slt.u32 s8, $0xFFFFF086  }
0x1c: {  	p1 =	slt.u32 s9, $0xF7A;
	s5 =	simm.s32 @!p2 $0x0  }
0x1d: {  	s5 =	simm.s32 @p1 $0x1;
	p0 =	seq.s32 s7, s2  }
0x1e: {  	s7 =	smul.u32 @!p0 $0xF7A, s2;
	p2 =	seq.s32 @!p0 s5, $0x0  }
0x1f: {  	s9 =	smul.u32 $0xF7A, s1;
	s8 =	simm.s32 @!p0 $0x1BF5;
	p2 =	por !p2, p0  }
0x20: {  	[sflag:s8] =	ssyncset.s32 @!p0 $0xFFFFF086;
	s6 =	sadd.s32 @!p0 s3, s7;
	s7 =	simm.s32 @!p0 $0x108  }
0x21: {  	s3 =	sadd.s32 s3, s9;
	s6 =	sadd.s32 @!p0 $0x88, s6;
	s7 =	simm.s32 @p2 $0x1082  }
0x22: {  	[simem:s7], [sflag:s8] =	dma.local @!p0 [hbm:s6], $0xF7A  }
0x23: {  	s9 =	sor.u32 $0xD0000000, s2;
	s6 =	simm.s32 $0x108;
	_ =	swait.ge @!p0 [sflag:s8], $0x0  }
0x24: {  	s3 =	sadd.s32 $0x88, s3;
	s6 =	simm.s32 @!p1 $0x1082;
	[sflag:s4] =	ssyncset.s32 $0xFFFFF086  }
0x25: {  	[simem:s6], [sflag:s4] =	dma.local [hbm:s3], $0xF7A  }
0x26: {  	[smem:$0x3F8D] =	sst s1;
	(tag) =	ssettag s2;
	_ =	strace s9  }
0x27: {  	s1 =	sld [smem:$0x3F9D]  }
0x28: {  	s2 =	sld [smem:$0x3F9E]  }
0x29: {  	s4 =	sld [smem:$0x3FA0]  }
0x2a: {  	p0 =	seq.s32 s5, $0x0;
	s5 =	sld [smem:$0x3FA1]  }
0x2b: {  	s6 =	sld [smem:$0x3FA2]  }
0x2c: {  	s7 =	sld [smem:$0x3FA3]  }
0x2d: {  	s3 =	simm.s32 $0x108;
	s8 =	sld [smem:$0x3FA4]  }
0x2e: {  	s3 =	simm.s32 @!p0 $0x1082;
	s9 =	sld [smem:$0x3FA5]  }
0x2f: {  	lr =	sadd.s32 s0, s3;
	s0 =	sld [smem:$0x3F9C]  }
0x30: {  	s3 =	sld [smem:$0x3F9F]  }
0x31: {  	[smem:$0x3FA8] =	sst s10  }
0x32: {  	s10 =	sld [smem:$0x3FA6];
	_ =	sdelay $0x3  }
0x33: {  	p0 =	seq.s32 s10, $0x1;
	s10 =	sld [smem:$0x3FA8];
	_ =	sdelay $0x3  }
0x34: {  	[smem:$0x3FA8] =	sst s10  }
0x35: {  	s10 =	sld [smem:$0x3FA7];
	_ =	sdelay $0x3  }
0x36: {  	p1 =	seq.s32 s10, $0x1;
	s10 =	sld [smem:$0x3FA8];
	_ =	sdelay $0x3  }
0x37: {  	[smem:$0x3FA8] =	sst s10  }
0x38: {  	s10 =	sld [smem:$0x3FA9]  }
0x39: {  	_ = 	snop;
	(pc) =	sbr.ind lr, $3  }
0x3a: {  	_ = 	snop  }
0x3b: {  	_ = 	snop  }
0x3c: {  	p2 =	seq.s32 s10, $0x1;
	s10 =	sld [smem:$0x3FA8]  }
0x3d: {  	_ =	shalt  }
0x3e: {  	_ =	shalt  }
0x3f: {  	_ =	shalt  }
0x40: {  	_ =	shalt  }
0x41: {  	_ =	shalt  }
0x42: {  	_ =	shalt  }
0x43: {  	_ =	shalt  }
0x44: {  	_ =	shalt  }
0x45: {  	_ =	shalt  }
0x46: {  	_ =	shalt  }
0x47: {  	_ =	shalt  }
0x48: {  	_ =	shalt  }
0x49: {  	_ =	shalt  }
0x4a: {  	_ =	shalt  }
0x4b: {  	_ =	shalt  }
0x4c: {  	_ =	shalt  }
0x4d: {  	_ =	shalt  }
0x4e: {  	_ =	shalt  }
0x4f: {  	_ =	shalt  }
0x50: {  	_ =	shalt  }
0x51: {  	_ =	shalt  }
0x52: {  	_ =	shalt  }
0x53: {  	_ =	shalt  }
0x54: {  	_ =	shalt  }
0x55: {  	_ =	shalt  }
0x56: {  	_ =	shalt  }
0x57: {  	_ =	shalt  }
0x58: {  	_ =	shalt  }
0x59: {  	_ =	shalt  }
0x5a: {  	_ =	shalt  }
0x5b: {  	_ =	shalt  }
0x5c: {  	_ =	shalt  }
0x5d: {  	_ =	shalt  }
0x5e: {  	_ =	shalt  }
0x5f: {  	_ =	shalt  }
0x60: {  	_ =	shalt  }
0x61: {  	_ =	shalt  }
0x62: {  	_ =	shalt  }
0x63: {  	_ =	shalt  }
0x64: {  	_ =	shalt  }
0x65: {  	_ =	shalt  }
0x66: {  	_ =	shalt  }
0x67: {  	_ =	shalt  }
0x68: {  	_ =	shalt  }
0x69: {  	_ =	shalt  }
0x6a: {  	_ =	shalt  }
0x6b: {  	_ =	shalt  }
0x6c: {  	_ =	shalt  }
0x6d: {  	_ =	shalt  }
0x6e: {  	_ =	shalt  }
0x6f: {  	_ =	shalt  }
0x70: {  	_ =	shalt  }
0x71: {  	_ =	shalt  }
0x72: {  	_ =	shalt  }
0x73: {  	_ =	shalt  }
0x74: {  	_ =	shalt  }
0x75: {  	_ =	shalt  }
0x76: {  	_ =	shalt  }
0x77: {  	_ =	shalt  }
0x78: {  	_ =	shalt  }
0x79: {  	_ =	shalt  }
0x7a: {  	_ =	shalt  }
0x7b: {  	_ =	shalt  }
0x7c: {  	_ =	shalt  }
0x7d: {  	_ =	shalt  }
0x7e: {  	_ =	shalt  }
0x7f: {  	_ =	shalt  }
0x80: {  	_ =	shalt  }
0x81: {  	_ =	shalt  }
0x82: {  	_ =	shalt  }
0x83: {  	_ =	shalt  }
0x84: {  	_ =	shalt  }
0x85: {  	_ =	shalt  }
0x86: {  	_ =	shalt  }
0x87: {  	_ =	shalt  }
.Lfunc_end0:
.L_simem_size_0:
called_computation.2_lowered:
.L_overlay_start_0:
0x88: {  	s2 =	sld [smem:$0x3FD9]  }
0x89: {  	s3 =	sld [smem:$0x3FFE];
	_ =	sdelay $0x1  }
0x8a: {  	s1 =	srdreg.scid  }
0x8b: {  	s0 =	sand.u32 $0x1, s1  }
0x8c: {  	s17 =	sshll.u32 s0, $0xA;
	s2 =	sadd.s32 s3, s2  }
0x8d: {  	s2 =	sadd.s32 s2, s17  }
0x8e: {  	[smem:$0x3FB4] =	sst s2  }
0x8f: {  	_ = 	snop  }
0x90: {  	s18 =	sld [smem:$0x3FD0];
	(tm) =	ssettm $0x1  }
0x91: {  	s19 =	sld [smem:$0x3FFB];
	_ =	sdelay $0x3  }
0x92: {  	_ =	strace s19  }
0x93: {  	s2 =	sld [smem:$0x3FFC];
	_ =	sdelay $0x3  }
0x94: {  	_ =	strace s2  }
0x95: {  	s2 =	sld [smem:$0x3FFD];
	_ =	sdelay $0x3  }
0x96: {  	_ =	strace s2  }
0x97: {  	_ =	strace $0x8FFFFFFF  }
0x98: {  	s20 =	sld [smem:$0x3FDB];
	_ =	sdelay $0x1  }
0x99: {  	s4 =	simm.s32 $_scs_section_size  }
0x9a: {  	s5 =	simm.s32 $_size__tile_overlayer_lowered;
	s6 =	simm.s32 $_tile_overlayer_lowered  }
0x9b: {  	s7 =	simm.s32 $0x1BFF;
	s21 =	sshll.u32 s6, $0x1;
	s4 =	sadd.s32 s4, s20  }
0x9c: {  	s22 =	simm.s32 $0x0;
	s5 =	sshll.u32 s5, $0x1;
	s6 =	sadd.s32 s21, s4  }
0x9d: {  	[timem:s22], [sflag:s7] =	dma.local [hbm:s6], s5  }
0x9e: {  	_ =	swait.ge [sflag:s7], s5  }
0x9f: {  	s5 =	ssub.s32 $0x0, s5;
	[sflag:s7] =	ssyncset.done $0x0  }
0xa0: {  	[sflag:s7] =	ssyncadd.s32 s5;
	_ =	sdelay $0x1  }
0xa1: {  	s23 =	simm.s32 $0x1B8B  }
0xa2: {  	_ =	swait.ge [sflag:s23], $0x1  }
0xa3: {  	[sflag:s23] =	ssyncset.done $0x0  }
0xa4: {  	[sflag:s23] =	ssyncadd.s32 $0xFFFFFFFF  }
0xa5: {  	s5 =	sld [smem:$0x0]  }
0xa6: {  	s6 =	sand.u32 $0xFFFFFFFE, s1  }
0xa7: {  	p0 =	sne.s32 s1, s6  }
0xa8: {  	s6 =	sshll.u32 @p0 s6, $0xE  }
0xa9: {  	s6 =	sadd.s32 @p0 $0x11B8D, s6;
	s7 =	sshll.u32 @p0 s5, $0x11  }
0xaa: {  	s6 =	sor.u32 @p0 s7, s6  }
0xab: {  	[sflag:s6] =	ssyncadd.remote.s32 @p0 $0x1;
	_ =	sdelay $0x1  }
0xac: {  	s6 =	simm.s32 @p0 $0x1B8D  }
0xad: {  	_ =	swait.eq @p0 [sflag:s6], $0x1  }
0xae: {  	[sflag:s6] =	ssyncadd.s32 @p0 $0xFFFFFFFF  }
0xaf: {  	s7 =	sshll.u32 @!p0 s1, $0xE  }
0xb0: {  	s7 =	sor.u32 @!p0 $0x4000, s7;
	s6 =	simm.s32 @!p0 $0x1B8D  }
0xb1: {  	s5 =	sshll.u32 @!p0 s5, $0x11;
	s7 =	sadd.s32 @!p0 $0x11B8D, s7;
	_ =	swait.eq @!p0 [sflag:s6], $0x1  }
0xb2: {  	s5 =	sor.u32 @!p0 s5, s7;
	[sflag:s6] =	ssyncadd.s32 @!p0 $0xFFFFFFFF  }
0xb3: {  	s25 =	simm.s32 $0x1B8E;
	s24 =	sld [smem:$0x3FFE];
	[sflag:s5] =	ssyncadd.remote.s32 @!p0 $0x1  }
0xb4: {  	s26 =	simm.s32 $execute0_lowered;
	[smem:$0x3FD2] =	sst s25  }
0xb5: {  	s6 =	sshll.u32 s26, $0x1;
	_ =	strace $0x8000004C;
	[dreg:$0x1] =	wrdreg $0xFFFFFFFF  }
0xb6: {  	s28 =	simm.s32 $_size_execute0_lowered;
	s4 =	sadd.s32 s4, s6;
	[dreg:$0x0] =	wrdreg $0x0  }
0xb7: {  	s6 =	sshll.u32 s28, $0x1;
	[dreg:$0x2] =	wrdreg s4  }
0xb8: {  	[dreg:$0x3] =	wrdreg s6  }
0xb9: {  	[dreg:$0x4] =	wrdreg $0xC0  }
0xba: {  	_ =	task [dreg:s22], $0x5FFFF  }
0xbb: {  	[dreg:$0x1] =	wrdreg $0xFFFFFFFF  }
0xbc: {  	[dreg:$0x0] =	wrdreg $0x60  }
0xbd: {  	[dreg:$0x2] =	wrdreg s24  }
0xbe: {  	[dreg:$0x3] =	wrdreg s18  }
0xbf: {  	[dreg:$0x4] =	wrdreg $0xA  }
0xc0: {  	_ =	task.clear_ibuf [dreg:s22], $0x5FFFF;
	_ =	strace $0x9000004C  }
0xc1: {  	s29 =	simm.s32 $0xA;
	_ =	strace $0x8000004E  }
0xc2: {  	_ =	swait.ge [sflag:s29], $0x1  }
0xc3: {  	[sflag:s29] =	ssyncadd.s32 $0xFFFFFFFF  }
0xc4: {  	_ =	strace $0x9000004E  }
0xc5: {  	_ =	sfence  }
0xc6: {  	s30 =	sld [smem:$0x0];
	_ =	sdelay $0x2  }
0xc7: {  	s31 =	sshll.u32 s1, $0xD;
	s1 =	sshrl.u32 s1, $0x2  }
0xc8: {  	s4 =	sand.u32 $0x4000, s31;
	s1 =	sadd.s32 s1, s30  }
0xc9: {  	s0 =	sor.u32 s4, s0;
	s1 =	sshll.u32 s1, $0x11  }
0xca: {  	s0 =	sor.u32 s1, s0  }
0xcb: {  	s0 =	sadd.s32 $0x8F2B, s0  }
0xcc: {  	[sflag:s0] =	ssyncadd.remote.s32 $0x1  }
0xcd: {  	_ =	sfence.sel $0xFFFF  }
0xce: {  	[dreg:$0x0] =	wrdreg $0xFFFFFFFF;
	(pc) =	sbr.abs _section_cstart, $3  }
0xcf: {  	[dreg:$0x1] =	wrdreg $0xFFFFFFFF  }
0xd0: {  	_ =	task.clear_ibuf [dreg:s22], $0x2FFFF;
	_ =	strace $0x9FFFFFFF  }
0xd1: {  	(tm) =	ssettm $0x7FFFFFFF  }
tec
execute0_lowered:
.L_overlay_start_1:
0x0: {  	(tag) =	ssettag $0x1  }
0x1: {  	s5 =	rddreg [dreg:$0x0];
	s1 =	srdreg.scid  }
0x2: {  	s0 =	stileid.u32;
	s9 =	rddreg [dreg:$0x1]  }
0x3: {  	s2 =	simm.s32 $0x0;
	s14 =	simm.s32 $0x1080;
	s15 =	simm.s32 $0x1880  }
0x4: {  	s16 =	simm.s32 $0x1;
	s17 =	simm.s32 $0x20;
	s3 =	smul.u32 $0x4E40, s0  }
0x5: {  	s18 =	simm.s32 $0x2100;
	s19 =	simm.s32 $0x2;
	s7 =	smul.u32 $0x9C800, s0  }
0x6: {  	s6 =	sand.u32 $0x1, s1;
	s1 =	rddreg [dreg:$0x2];
	s8 =	smul.u32 $0x4E400, s0  }
0x7: {  	s20 =	simm.s32 $0x0;
	[smem:$0x7FF] =	sst s2;
	s4 =	smul.u32 $0x2720, s6  }
0x8: {  	_ =	strace $0x8000004D;
	s12 =	smul.u32 $0x27200, s6;
	s13 =	ssub.s32 $0x2, s6  }
0x9: {  	s6 =	smul.u32 $0x4E400, s6;
	s8 =	sadd.s32 s8, s5;
	s7 =	sadd.s32 s7, s5  }
0xa: {  	s30 =	sshrl.u32 s13, $0x1;
	s4 =	sadd.s32 s4, s3;
	s3 =	sadd.s32 $0x60800, s5  }
0xb: {  	s8 =	sadd.s32 s12, s8;
	s31 =	ssub.s32 s13, s30;
	s7 =	sadd.s32 s6, s7  }
0xc: {  	s12 =	simm.s32 $0x80;
	s13 =	simm.s32 $0x880;
	s10 =	sshrl.u32 s4, $0x3  }
0xd: {  	v2 =	vlaneseq.u32;
	s4 =	sadd.s32 $0x538800, s5;
	s6 =	smax.u32 s31, $0x1;
	s7 =	sadd.s32 $0xA1A800, s7  }
0xe: {  	vm0 =	vmmov $0xffff;
	v1 =	vshrl.u32 v2, $0x3;
	s11 =	sadd.s32 s10, s5;
	s5 =	sadd.s32 $0x13E2800, s8;
	s9 =	sadd.s32 s10, s9  }
0xf: {  	v0 =	vand.u32 $0x7, v2;
	v2 =	vor.u32 $0x8, v2;
	v1 =	vmul.u32 $0x8, v1;
	s10 =	simm.s32 $0x3;
	s8 =	sadd.s32 $0x20800, s11;
	s11 =	simm.s32 $0x2080  }
.LBB2_1:
0x10: {  	s21 =	smov.u32 s7;
	s22 =	smov.u32 s5;
	s23 =	simm.s32 $0x0  }
.LBB2_2:
0x11: {  	s24 =	sadd.s32 s23, s9  }
0x12: {  	[tilespmem:s2], [sflag:$0x3] =	stream.linear.gather [hbm4b:s24+s2], $0x20, $0x38;
	[tilespmem:$0x3100] =	vst v63  }
0x13: {  	_ =	swait.ge [sflag:s10], $0x20  }
0x14: {  	[sflag:s10] =	ssyncset.done $0x0  }
0x15: {  	s31 =	sadd.s32 s23, s8;
	[sflag:s10] =	ssyncadd.s32 $0xFFFFFFE0  }
0x16: {  	[tilespmem:s11], [sflag:$0x3] =	stream.linear.gather [hbm4b:s31+s2], $0x20, $0x38;
	[tilespmem:$0x3100] =	vst v63  }
0x17: {  	_ =	swait.ge [sflag:s10], $0x20  }
0x18: {  	[sflag:s10] =	ssyncset.done $0x0  }
0x19: {  	[sflag:s10] =	ssyncadd.s32 $0xFFFFFFE0  }
0x1a: {  	v3 =	vld [tilespmem:$0x0];
	_ =	sdelay $0x4  }
0x1b: {  	v4 =	vshll.u32 v3, $0x1  }
0x1c: {  	v3 =	vand.u32 $0x7, v3;
	v4 =	vand.u32 $0xFFFFFFF0, v4  }
0x1d: {  	v3 =	vor.u32 v3, v4  }
0x1e: {  	v4 =	vperm.xlane v3, v0;
	_ =	sdelay $0x1  }
0x1f: {  	v3 =	vperm.xlane v3, v2;
	v4 =	vadd.s32 v1, v4;
	_ =	sdelay $0x1  }
0x20: {  	v3 =	vadd.s32 v1, v3;
	_ =	sdelay $0x2  }
0x21: {  	[tilespmem:s12], [sflag:$0x1] =	stream.indirect_vreg.gather [hbm4b:s3+s2], $0x80, v4, vm0, $0xb8;
	[tilespmem:$0x3100] =	vst v63  }
0x22: {  	_ = 	snop  }
0x23: {  	[tilespmem:s13], [sflag:$0x1] =	stream.indirect_vreg.gather [hbm4b:s3+s2], $0x80, v3, vm0, $0xb8;
	[tilespmem:$0x3100] =	vst v63  }
0x24: {  	v3 =	vld [tilespmem:$0x10];
	_ =	sdelay $0x4  }
0x25: {  	v63 =	vshll.u32 v3, $0x1  }
0x26: {  	v3 =	vand.u32 $0x7, v3;
	v4 =	vand.u32 $0xFFFFFFF0, v63  }
0x27: {  	v3 =	vor.u32 v3, v4  }
0x28: {  	v4 =	vperm.xlane v3, v0;
	_ =	sdelay $0x1  }
0x29: {  	v3 =	vperm.xlane v3, v2;
	v4 =	vadd.s32 v1, v4;
	_ =	sdelay $0x1  }
0x2a: {  	v3 =	vadd.s32 v1, v3;
	_ =	sdelay $0x2  }
0x2b: {  	[tilespmem:s14], [sflag:$0x1] =	stream.indirect_vreg.gather [hbm4b:s3+s2], $0x80, v4, vm0, $0xb8;
	[tilespmem:$0x3100] =	vst v63  }
0x2c: {  	_ = 	snop  }
0x2d: {  	[tilespmem:s15], [sflag:$0x1] =	stream.indirect_vreg.gather [hbm4b:s3+s2], $0x80, v3, vm0, $0xb8;
	[tilespmem:$0x3100] =	vst v63  }
0x2e: {  	_ =	swait.ge [sflag:s16], $0x2000  }
0x2f: {  	[sflag:s16] =	ssyncset.done $0x0  }
0x30: {  	[sflag:s16] =	ssyncadd.s32 $0xFFFFE000  }
0x31: {  	[tilespmem:s18], [sflag:$0x2] =	stream.indirect.gather [hbm4b:s4+s17], $0x80, s11, s17, $0xb8;
	[tilespmem:$0x3100] =	vst v63  }
0x32: {  	_ =	swait.ge [sflag:s19], $0x1000  }
0x33: {  	[sflag:s19] =	ssyncset.done $0x0  }
0x34: {  	[sflag:s19] =	ssyncadd.s32 $0xFFFFF000  }
0x35: {  	[hbm4b:s21+s2] =	stream.linear.scatter [tilespmem:s12], [sflag:$0x3], $0x2000, $0x38;
	[tilespmem:$0x3100] =	vst v63  }
0x36: {  	_ =	swait.ge [sflag:s10], $0x2000  }
0x37: {  	p0 =	sne.s32 s23, $0x4E0;
	[sflag:s10] =	ssyncset.done $0x0  }
.Ltmp0:
0x38: {  	[sflag:s10] =	ssyncadd.s32 $0xFFFFE000;
	(pc) =	sbr.rel @p0 .LBB2_2-.Ltmp0, $4  }
0x39: {  	[hbm4b:s22+s2] =	stream.linear.scatter [tilespmem:s18], [sflag:$0x3], $0x1000, $0x38;
	[tilespmem:$0x3100] =	vst v63  }
0x3a: {  	_ =	swait.ge [sflag:s10], $0x1000  }
0x3b: {  	s23 =	sadd.s32 $0x4, s23;
	[sflag:s10] =	ssyncset.done $0x0  }
0x3c: {  	s21 =	sadd.s32 $0x400, s21;
	s22 =	sadd.s32 $0x200, s22;
	[sflag:s10] =	ssyncadd.s32 $0xFFFFF000  }
0x3d: {  	s20 =	sadd.s32 $0x1, s20  }
0x3e: {  	p0 =	sne.s32 s20, s6  }
.Ltmp1:
0x3f: {  	_ = 	snop;
	(pc) =	sbr.rel @p0 .LBB2_1-.Ltmp1, $1  }
0x40: {  	_ =	sdelay $0x3  }
0x41: {  	_ =	sfence.sel $0x180000  }
0x42: {  	[bflag:$0x0] =	sbarrier.arrive $0xFFFF  }
0x43: {  	p0 =	sne.s32 s0, $0x0;
	_ =	strace $0x9000004D  }
0x44: {  	s0 =	sadd.s32 @!p0 $0x100000, s1;
	[bflag:$0x2] =	sbarrier.arrive $0xFFFF  }
0x45: {  	[sflag:s0] =	ssyncadd.tile.s32 @!p0 $0x1;
	_ =	shalt  }
.Lfunc_end2:
_tile_overlayer_lowered:
.L_overlay_start_2:
0x46: {  	(tag) =	ssettag $0x2  }
0x47: {  	s0 =	rddreg [dreg:$0x0];
	s2 =	stileid.u32  }
0x48: {  	s1 =	rddreg [dreg:$0x1];
	p0 =	sne.s32 s2, $0x0  }
0x49: {  	s3 =	rddreg [dreg:$0x2];
	[bflag:$0x3] =	sbarrier.arrive $0xFFFF;
	s2 =	simm.s32 @!p0 $0x1C03  }
0x4a: {  	[timem:s3], [sflag:s2] =	dma.local @!p0 [hbm:s0], s1  }
0x4b: {  	s0 =	simm.s32 @!p0 $0x3  }
0x4c: {  	_ =	swait.ge @!p0 [sflag:s0], s1  }
0x4d: {  	s1 =	ssub.s32 @!p0 $0x0, s1;
	[sflag:s0] =	ssyncset.done @!p0 $0x0  }
0x4e: {  	[sflag:s0] =	ssyncadd.s32 @!p0 s1  }
0x4f: {  	[bflag:$0x3] =	sbarrier.arrive $0xFFFF  }
0x50: {  	_ =	shalt  }

</sc_bundles>
